<compile_context>
chip_gen: v7x
topology: tpu7x:2x2x1
jax: 0.10.2.dev20260603
libtpu: 0.0.44.dev20260713+nightly
codegen_flags: <defaults>
</compile_context>

<pallas_src>
import functools

import jax
import jax.numpy as jnp
from jax import lax
from jax.experimental import pallas as pl
from jax.experimental.pallas import tpu as pltpu
from jax.experimental.pallas import tpu_sc as plsc

_L = 16
_SEQ = 2048
_ROWS = 2
_NSUB = 16
_CHUNK = _SEQ // _NSUB
_CSTEPS = _CHUNK // _L


def _sc_sample_loss(x_flat, y2, lens):
    mesh = plsc.VectorSubcoreMesh(core_axis_name="c", subcore_axis_name="s")

    @functools.partial(
        pl.kernel,
        out_type=jax.ShapeDtypeStruct((1,), jnp.float32),
        mesh=mesh,
        compiler_params=pltpu.CompilerParams(needs_layout_passes=False),
        scratch_types=[
            pltpu.VMEM((_ROWS, _CHUNK), jnp.int32),
            pltpu.VMEM((_ROWS, _CHUNK), jnp.float32),
            pltpu.VMEM((_L,), jnp.int32),
            pltpu.VMEM((_ROWS, _L), jnp.float32),
            pltpu.VMEM((_NSUB, _ROWS, _L), jnp.float32),
            pltpu.VMEM((_L,), jnp.float32),
            pltpu.VMEM_SHARED((_NSUB, _ROWS, _L), jnp.float32),
            pltpu.SemaphoreType.DMA,
        ],
    )
    def k(x_hbm, y_hbm, len_hbm, out_hbm,
          idx_v, val_v, len_v, part_v, gath_v, res_v, shared, sem):
        cid = lax.axis_index("c")
        sid = lax.axis_index("s")
        on_core0 = cid == 0

        @pl.when(on_core0)
        def _work():
            base = sid * _CHUNK
            pltpu.sync_copy(len_hbm, len_v)
            lv = len_v[...]
            lane = lax.iota(jnp.int32, _L)
            ones = jnp.ones((_L,), jnp.float32)
            for i in range(_ROWS):
                part_v[i, pl.ds(0, _L)] = ones

                @pl.when(lv[i] > base)
                def _row(i=i, lv=lv, base=base, lane=lane, ones=ones):
                    pltpu.sync_copy(
                        y_hbm.at[i, pl.ds(base, _CHUNK)], idx_v.at[i]
                    )
                    if i:
                        for j in range(_CSTEPS):
                            sl = pl.ds(j * _L, _L)
                            idx_v[i, sl] = idx_v[i, sl] + i * 32768
                    pltpu.async_copy(
                        x_hbm.at[idx_v.at[i]], val_v.at[i], sem
                    ).wait()
                    li = jnp.zeros((_L,), jnp.int32) + lv[i]
                    nsteps = jnp.minimum(
                        _CSTEPS, (lv[i] - base + _L - 1) // _L
                    )

                    def body(j, acc, i=i, li=li, base=base, lane=lane):
                        v = val_v[i, pl.ds(j * _L, _L)]
                        pos = lane + base + j * _L
                        return acc * jnp.where(pos < li, 1.0 - v, 1.0)

                    part_v[i, pl.ds(0, _L)] = lax.fori_loop(
                        0, nsteps, body, ones
                    )

            pltpu.sync_copy(part_v, shared.at[sid])

        plsc.subcore_barrier()

        @pl.when(jnp.logical_and(on_core0, sid == 0))
        def _combine():
            pltpu.sync_copy(shared, gath_v)
            lane = lax.iota(jnp.int32, _L)
            total = jnp.zeros((_L,), jnp.float32)
            for i in range(_ROWS):
                acc = gath_v[0, i, pl.ds(0, _L)]
                for t in range(1, _NSUB):
                    acc = acc * gath_v[t, i, pl.ds(0, _L)]
                for sh in (8, 4, 2, 1):
                    res_v[...] = acc
                    perm = (lane + sh) & (_L - 1)
                    acc = acc * plsc.load_gather(res_v, [perm])
                total = total + (1.0 - acc)
            res_v[...] = total
            pltpu.sync_copy(res_v.at[pl.ds(0, 1)], out_hbm)

    return k(x_flat, y2, lens)


def kernel(x, y, lengths):
    x_flat = x.reshape(-1)
    y2 = y[:_ROWS].astype(jnp.int32)
    lens = lengths.astype(jnp.int32)
    return _sc_sample_loss(x_flat, y2, lens)

# --- scband reference (transcript-rebuilt; emitter-appended) ---
"""Pipeline reference for scband-sample-loss-44092134261091 (READ-ONLY COPY).

The authoritative reference and input builder live on the scoring server;
editing this copy changes nothing except your own understanding.
"""

import jax, jax.numpy as jnp
import numpy as np


def setup_inputs(seed: int = 0) -> dict:
    key = jax.random.key(seed)
    k1, k2, k3 = jax.random.split(key, 3)
    x = jax.random.uniform(k1, (16, 32768), dtype=jnp.float32)
    y = jax.random.randint(k2, (16, 2048), 0, 32768, dtype=jnp.int64)
    lengths = jax.random.randint(k3, (16,), 0, 2048, dtype=jnp.int64)
    return {"x": x, "y": y, "lengths": lengths}


def reference(x, y, lengths):
    # Faithful translation of Sample_loss.forward.
    # batch_size = len(lengths) // 8; only the first batch_size rows contribute.
    batch_size = lengths.shape[0] // 8
    positions = jnp.arange(y.shape[1])
    loss = jnp.asarray(0.0, dtype=x.dtype)
    for i in range(batch_size):
        li = lengths[i]
        label_index = y[i]
        values = 1.0 - jnp.take(x[i], label_index, axis=0)
        masked = jnp.where(positions < li, values, jnp.asarray(1.0, dtype=x.dtype))
        # sequential scalar product over values == jnp.prod(values)
        prod = jnp.prod(masked)
        loss = loss + (1.0 - prod)
    # torch: Variable(loss, requires_grad=True).unsqueeze(0)
    return loss[None]

if __name__ == "__main__":
    import jax
    _d = setup_inputs()
    print(jax.jit(kernel)(*tuple(_d.values())))

</pallas_src>

<mosaic_0001>
#map = affine_map<(d0, d1) -> (0)>
#map1 = affine_map<(d0, d1) -> (0, 0)>
module attributes {stable_mosaic.version = 14 : i64} {
  func.func @k(%arg0: i32, %arg1: i32, %arg2: memref<524288xf32, #tpu.memory_space<hbm>>, %arg3: memref<2x2048xi32, #tpu.memory_space<hbm>>, %arg4: memref<16xi32, #tpu.memory_space<hbm>>, %arg5: memref<1xf32, #tpu.memory_space<hbm>>, %arg6: memref<2x128xi32, #tpu.memory_space<vmem>>, %arg7: memref<2x128xf32, #tpu.memory_space<vmem>>, %arg8: memref<16xi32, #tpu.memory_space<vmem>>, %arg9: memref<2x16xf32, #tpu.memory_space<vmem>>, %arg10: memref<16x2x16xf32, #tpu.memory_space<vmem>>, %arg11: memref<16xf32, #tpu.memory_space<vmem>>, %arg12: memref<16x2x16xf32, #tpu.memory_space<vmem_shared>>, %arg13: memref<!tpu.dma_semaphore, #tpu.memory_space<semaphore_mem>>) attributes {dimension_semantics = [#tpu.dimension_semantics<core_parallel>, #tpu.dimension_semantics<subcore_parallel>], iteration_bounds = array<i64: 2, 16>, scalar_prefetch = 0 : i64, scratch_operands = 8 : i64, tpu.core_type = #tpu.core_type<sc_vector_subcore>, window_params = [{transform_indices = #map}, {transform_indices = #map1}, {transform_indices = #map}, {transform_indices = #map}]} {
    %eq3A = arith.constant 0 : i32
    %eq3A_0 = arith.cmpi eq, %arg0, %eq3A : i32
    %convert_element_type3A = arith.extui %eq3A_0 : i1 to i32
    %cond3A = arith.constant 0 : i32
    %cond3A_1 = arith.cmpi ne, %convert_element_type3A, %cond3A : i32
    scf.if %cond3A_1 {
      %mul3A = arith.constant 128 : i32
      %mul3A_7 = arith.muli %arg1, %mul3A : i32
      "tpu.region"() ({
        %run_scoped3A = tpu.sem_alloc : memref<!tpu.dma_semaphore, #tpu.memory_space<semaphore_mem>>
        tpu.enqueue_dma source(%arg4 : memref<16xi32, #tpu.memory_space<hbm>>) target(%arg8 : memref<16xi32, #tpu.memory_space<vmem>>) target_semaphore(%run_scoped3A : memref<!tpu.dma_semaphore, #tpu.memory_space<semaphore_mem>>)
        tpu.wait_dma2 semaphore(%run_scoped3A : memref<!tpu.dma_semaphore, #tpu.memory_space<semaphore_mem>>) src(%arg4 : memref<16xi32, #tpu.memory_space<hbm>>) dst(%arg8 : memref<16xi32, #tpu.memory_space<vmem>>)
        tpu.yield
      }) : () -> ()
      %get3A = arith.constant 0 : index
      %get3A_8 = tpu.vector_load %arg8[%get3A] {strides = array<i32>} : memref<16xi32, #tpu.memory_space<vmem>>, vector<16xi32>,
      %iota3A = tpu.iota {dimensions = array<i32: 0>} : vector<16xi32>
      %broadcast_in_dim3A = arith.constant 1.000000e+00 : f32
      %broadcast_in_dim3A_9 = vector.broadcast %broadcast_in_dim3A : f32 to vector<16xf32>
      %swap3A = arith.constant 0 : i32
      %swap3A_10 = arith.index_cast %swap3A : i32 to index
      %swap3A_11 = arith.constant 0 : index
      %swap3A_12 = tpu.vector_load %arg9[%swap3A_10, %swap3A_11] {strides = array<i32>} : memref<2x16xf32, #tpu.memory_space<vmem>>, vector<16xf32>,
      tpu.vector_store %arg9[%swap3A_10, %swap3A_11], %broadcast_in_dim3A_9 {strides = array<i32>} : memref<2x16xf32, #tpu.memory_space<vmem>>, vector<16xf32>,
      %slice3A = vector.extract_strided_slice %get3A_8 {offsets = [0], sizes = [1], strides = [1]} : vector<16xi32> to vector<1xi32>
      %squeeze3A = vector.extract %slice3A[0] : i32 from vector<1xi32>
      %gt3A = arith.cmpi sgt, %squeeze3A, %mul3A_7 : i32
      %convert_element_type3A_13 = arith.extui %gt3A : i1 to i32
      %cond3A_14 = arith.constant 0 : i32
      %cond3A_15 = arith.cmpi ne, %convert_element_type3A_13, %cond3A_14 : i32
      scf.if %cond3A_15 {
        %run_scoped3A = arith.constant 0 : i32
        %run_scoped3A_26 = arith.constant 0 : i32
        "tpu.region"() ({
          %run_scoped3A_89 = tpu.sem_alloc : memref<!tpu.dma_semaphore, #tpu.memory_space<semaphore_mem>>
          %dma_start3A_90 = arith.constant 0 : i32
          %dma_start3A_91 = tpu.memref_slice %arg6[%run_scoped3A_26, %dma_start3A_90] : memref<2x128xi32, #tpu.memory_space<vmem>> -> memref<1x128xi32, #tpu.memory_space<vmem>>
          %dma_start3A_92 = tpu.memref_squeeze %dma_start3A_91 : memref<1x128xi32, #tpu.memory_space<vmem>> -> memref<128xi32, #tpu.memory_space<vmem>>
          %dma_start3A_93 = tpu.memref_slice %arg3[%run_scoped3A, %mul3A_7] : memref<2x2048xi32, #tpu.memory_space<hbm>> -> memref<1x128xi32, #tpu.memory_space<hbm>>
          %dma_start3A_94 = tpu.memref_squeeze %dma_start3A_93 : memref<1x128xi32, #tpu.memory_space<hbm>> -> memref<128xi32, #tpu.memory_space<hbm>>
          %dma_start3A_95 = arith.constant 0 : i32
          %dma_start3A_96 = tpu.memref_slice %arg6[%run_scoped3A_26, %dma_start3A_95] : memref<2x128xi32, #tpu.memory_space<vmem>> -> memref<1x128xi32, #tpu.memory_space<vmem>>
          %dma_start3A_97 = tpu.memref_squeeze %dma_start3A_96 : memref<1x128xi32, #tpu.memory_space<vmem>> -> memref<128xi32, #tpu.memory_space<vmem>>
          %dma_start3A_98 = tpu.memref_slice %arg3[%run_scoped3A, %mul3A_7] : memref<2x2048xi32, #tpu.memory_space<hbm>> -> memref<1x128xi32, #tpu.memory_space<hbm>>
          %dma_start3A_99 = tpu.memref_squeeze %dma_start3A_98 : memref<1x128xi32, #tpu.memory_space<hbm>> -> memref<128xi32, #tpu.memory_space<hbm>>
          tpu.enqueue_dma source(%dma_start3A_99 : memref<128xi32, #tpu.memory_space<hbm>>) target(%dma_start3A_97 : memref<128xi32, #tpu.memory_space<vmem>>) target_semaphore(%run_scoped3A_89 : memref<!tpu.dma_semaphore, #tpu.memory_space<semaphore_mem>>)
          %dma_wait3A_100 = arith.constant 0 : i32
          %dma_wait3A_101 = tpu.memref_slice %arg6[%run_scoped3A_26, %dma_wait3A_100] : memref<2x128xi32, #tpu.memory_space<vmem>> -> memref<1x128xi32, #tpu.memory_space<vmem>>
          %dma_wait3A_102 = tpu.memref_squeeze %dma_wait3A_101 : memref<1x128xi32, #tpu.memory_space<vmem>> -> memref<128xi32, #tpu.memory_space<vmem>>
          %dma_wait3A_103 = tpu.memref_slice %arg3[%run_scoped3A, %mul3A_7] : memref<2x2048xi32, #tpu.memory_space<hbm>> -> memref<1x128xi32, #tpu.memory_space<hbm>>
          %dma_wait3A_104 = tpu.memref_squeeze %dma_wait3A_103 : memref<1x128xi32, #tpu.memory_space<hbm>> -> memref<128xi32, #tpu.memory_space<hbm>>
          %dma_wait3A_105 = arith.constant 0 : i32
          %dma_wait3A_106 = tpu.memref_slice %arg6[%run_scoped3A_26, %dma_wait3A_105] : memref<2x128xi32, #tpu.memory_space<vmem>> -> memref<1x128xi32, #tpu.memory_space<vmem>>
          %dma_wait3A_107 = tpu.memref_squeeze %dma_wait3A_106 : memref<1x128xi32, #tpu.memory_space<vmem>> -> memref<128xi32, #tpu.memory_space<vmem>>
          %dma_wait3A_108 = tpu.memref_slice %arg3[%run_scoped3A, %mul3A_7] : memref<2x2048xi32, #tpu.memory_space<hbm>> -> memref<1x128xi32, #tpu.memory_space<hbm>>
          %dma_wait3A_109 = tpu.memref_squeeze %dma_wait3A_108 : memref<1x128xi32, #tpu.memory_space<hbm>> -> memref<128xi32, #tpu.memory_space<hbm>>
          tpu.wait_dma2 semaphore(%run_scoped3A_89 : memref<!tpu.dma_semaphore, #tpu.memory_space<semaphore_mem>>) src(%dma_wait3A_109 : memref<128xi32, #tpu.memory_space<hbm>>) dst(%dma_wait3A_107 : memref<128xi32, #tpu.memory_space<vmem>>)
          tpu.yield
        }) : () -> ()
        %dma_start3A = arith.constant 0 : i32
        %dma_start3A_27 = arith.constant 0 : i32
        %dma_start3A_28 = arith.constant 0 : i32
        %dma_start3A_29 = tpu.memref_slice %arg7[%dma_start3A_27, %dma_start3A_28] : memref<2x128xf32, #tpu.memory_space<vmem>> -> memref<1x128xf32, #tpu.memory_space<vmem>>
        %dma_start3A_30 = tpu.memref_squeeze %dma_start3A_29 : memref<1x128xf32, #tpu.memory_space<vmem>> -> memref<128xf32, #tpu.memory_space<vmem>>
        %dma_start3A_31 = arith.constant 0 : i32
        %dma_start3A_32 = tpu.memref_slice %arg6[%dma_start3A, %dma_start3A_31] : memref<2x128xi32, #tpu.memory_space<vmem>> -> memref<1x128xi32, #tpu.memory_space<vmem>>
        %dma_start3A_33 = tpu.memref_squeeze %dma_start3A_32 : memref<1x128xi32, #tpu.memory_space<vmem>> -> memref<128xi32, #tpu.memory_space<vmem>>
        %dma_start3A_34 = arith.constant 0 : i32
        %dma_start3A_35 = tpu.memref_slice %arg2[%dma_start3A_34] : memref<524288xf32, #tpu.memory_space<hbm>> -> memref<524288xf32, #tpu.memory_space<hbm>>
        tpu.enqueue_indirect_dma source(%dma_start3A_35 : memref<524288xf32, #tpu.memory_space<hbm>>) target(%dma_start3A_30 : memref<128xf32, #tpu.memory_space<vmem>>) offsets(%dma_start3A_33 : memref<128xi32, #tpu.memory_space<vmem>>) semaphore(%arg13 : memref<!tpu.dma_semaphore, #tpu.memory_space<semaphore_mem>>)
        %dma_wait3A = arith.constant 0 : i32
        %dma_wait3A_36 = arith.constant 0 : i32
        %dma_wait3A_37 = arith.constant 0 : i32
        %dma_wait3A_38 = tpu.memref_slice %arg7[%dma_wait3A_36, %dma_wait3A_37] : memref<2x128xf32, #tpu.memory_space<vmem>> -> memref<1x128xf32, #tpu.memory_space<vmem>>
        %dma_wait3A_39 = tpu.memref_squeeze %dma_wait3A_38 : memref<1x128xf32, #tpu.memory_space<vmem>> -> memref<128xf32, #tpu.memory_space<vmem>>
        %dma_wait3A_40 = arith.constant 0 : i32
        %dma_wait3A_41 = tpu.memref_slice %arg6[%dma_wait3A, %dma_wait3A_40] : memref<2x128xi32, #tpu.memory_space<vmem>> -> memref<1x128xi32, #tpu.memory_space<vmem>>
        %dma_wait3A_42 = tpu.memref_squeeze %dma_wait3A_41 : memref<1x128xi32, #tpu.memory_space<vmem>> -> memref<128xi32, #tpu.memory_space<vmem>>
        %dma_wait3A_43 = arith.constant 0 : i32
        %dma_wait3A_44 = tpu.memref_slice %arg2[%dma_wait3A_43] : memref<524288xf32, #tpu.memory_space<hbm>> -> memref<524288xf32, #tpu.memory_space<hbm>>
        tpu.wait_indirect_dma semaphore(%arg13 : memref<!tpu.dma_semaphore, #tpu.memory_space<semaphore_mem>>) src(%dma_wait3A_44 : memref<524288xf32, #tpu.memory_space<hbm>>) dst(%dma_wait3A_39 : memref<128xf32, #tpu.memory_space<vmem>>)
        %broadcast_in_dim3A_45 = arith.constant 0 : i32
        %broadcast_in_dim3A_46 = vector.broadcast %broadcast_in_dim3A_45 : i32 to vector<16xi32>
        %slice3A_47 = vector.extract_strided_slice %get3A_8 {offsets = [0], sizes = [1], strides = [1]} : vector<16xi32> to vector<1xi32>
        %squeeze3A_48 = vector.extract %slice3A_47[0] : i32 from vector<1xi32>
        %add3A = vector.broadcast %squeeze3A_48 : i32 to vector<16xi32>
        %add3A_49 = arith.addi %broadcast_in_dim3A_46, %add3A : vector<16xi32>
        %slice3A_50 = vector.extract_strided_slice %get3A_8 {offsets = [0], sizes = [1], strides = [1]} : vector<16xi32> to vector<1xi32>
        %squeeze3A_51 = vector.extract %slice3A_50[0] : i32 from vector<1xi32>
        %sub3A = arith.subi %squeeze3A_51, %mul3A_7 : i32
        %add3A_52 = arith.constant 16 : i32
        %add3A_53 = arith.addi %sub3A, %add3A_52 : i32
        %sub3A_54 = arith.constant 1 : i32
        %sub3A_55 = arith.subi %add3A_53, %sub3A_54 : i32
        %jit3A = arith.constant 16 : i32
        %div3A = arith.divsi %sub3A_55, %jit3A : i32
        %sign3A = arith.constant 0 : i32
        %sign3A_56 = arith.cmpi sgt, %sub3A_55, %sign3A : i32
        %sign3A_57 = arith.extui %sign3A_56 : i1 to i32
        %sign3A_58 = arith.constant 0 : i32
        %sign3A_59 = arith.cmpi slt, %sub3A_55, %sign3A_58 : i32
        %sign3A_60 = arith.extui %sign3A_59 : i1 to i32
        %sign3A_61 = arith.subi %sign3A_57, %sign3A_60 : i32
        %sign3A_62 = arith.constant 0 : i32
        %sign3A_63 = arith.cmpi sgt, %jit3A, %sign3A_62 : i32
        %sign3A_64 = arith.extui %sign3A_63 : i1 to i32
        %sign3A_65 = arith.constant 0 : i32
        %sign3A_66 = arith.cmpi slt, %jit3A, %sign3A_65 : i32
        %sign3A_67 = arith.extui %sign3A_66 : i1 to i32
        %sign3A_68 = arith.subi %sign3A_64, %sign3A_67 : i32
        %ne3A = arith.cmpi ne, %sign3A_61, %sign3A_68 : i32
        %rem3A = arith.remsi %sub3A_55, %jit3A : i32
        %ne3A_69 = arith.constant 0 : i32
        %ne3A_70 = arith.cmpi ne, %rem3A, %ne3A_69 : i32
        %and3A_71 = arith.andi %ne3A, %ne3A_70 : i1
        %sub3A_72 = arith.constant 1 : i32
        %sub3A_73 = arith.subi %div3A, %sub3A_72 : i32
        %select_n3A = arith.select %and3A_71, %sub3A_73, %div3A : i32
        %min3A = arith.constant 8 : i32
        %min3A_74 = arith.minsi %min3A, %select_n3A : i32
        %while3A = arith.constant 0 : i32
        %while3A_75 = arith.subi %min3A_74, %while3A : i32
        %while3A_76 = arith.addi %while3A, %while3A_75 : i32
        %while3A_77 = arith.constant 1 : i32
        %while3A_78 = arith.divsi %while3A_75, %while3A_77 : i32
        %while3A_79 = arith.muli %while3A_78, %while3A_77 : i32
        %while3A_80 = arith.addi %while3A, %while3A_79 : i32
        %while3A_81 = arith.constant 1 : i32
        %while3A_82 = scf.for %while3A_89 = %while3A to %while3A_80 step %while3A_81 iter_args(%while3A_90 = %broadcast_in_dim3A_9) -> (vector<16xf32>)  : i32 {
          %mul3A_91 = arith.constant 16 : i32
          %mul3A_92 = arith.muli %while3A_89, %mul3A_91 : i32
          %get3A_93 = arith.constant 0 : i32
          %get3A_94 = arith.index_cast %get3A_93 : i32 to index
          %get3A_95 = arith.index_cast %mul3A_92 : i32 to index
          %get3A_96 = tpu.vector_load %arg7[%get3A_94, %get3A_95] {strides = array<i32>} : memref<2x128xf32, #tpu.memory_space<vmem>>, vector<16xf32>,
          %add3A_97 = vector.broadcast %mul3A_7 : i32 to vector<16xi32>
          %add3A_98 = arith.addi %iota3A, %add3A_97 : vector<16xi32>
          %mul3A_99 = arith.constant 16 : i32
          %mul3A_100 = arith.muli %while3A_89, %mul3A_99 : i32
          %add3A_101 = vector.broadcast %mul3A_100 : i32 to vector<16xi32>
          %add3A_102 = arith.addi %add3A_98, %add3A_101 : vector<16xi32>
          %lt3A = arith.cmpi slt, %add3A_102, %add3A_49 : vector<16xi32>
          %sub3A_103 = arith.constant 1.000000e+00 : f32
          %sub3A_104 = vector.broadcast %sub3A_103 : f32 to vector<16xf32>
          %sub3A_105 = arith.subf %sub3A_104, %get3A_96 : vector<16xf32>
          %jit3A_106 = arith.constant 1.000000e+00 : f32
          %broadcast_in_dim3A_107 = vector.broadcast %jit3A_106 : f32 to vector<16xf32>
          %select_n3A_108 = arith.select %lt3A, %sub3A_105, %broadcast_in_dim3A_107 : vector<16xi1>, vector<16xf32>
          %mul3A_109 = arith.mulf %while3A_90, %select_n3A_108 : vector<16xf32>
          scf.yield %mul3A_109 : vector<16xf32>
        }
        %while3A_83 = arith.constant 1 : i32
        %while3A_84 = scf.for %while3A_89 = %while3A_80 to %while3A_76 step %while3A_83 iter_args(%while3A_90 = %while3A_82) -> (vector<16xf32>)  : i32 {
          %mul3A_91 = arith.constant 16 : i32
          %mul3A_92 = arith.muli %while3A_89, %mul3A_91 : i32
          %get3A_93 = arith.constant 0 : i32
          %get3A_94 = arith.index_cast %get3A_93 : i32 to index
          %get3A_95 = arith.index_cast %mul3A_92 : i32 to index
          %get3A_96 = tpu.vector_load %arg7[%get3A_94, %get3A_95] {strides = array<i32>} : memref<2x128xf32, #tpu.memory_space<vmem>>, vector<16xf32>,
          %add3A_97 = vector.broadcast %mul3A_7 : i32 to vector<16xi32>
          %add3A_98 = arith.addi %iota3A, %add3A_97 : vector<16xi32>
          %mul3A_99 = arith.constant 16 : i32
          %mul3A_100 = arith.muli %while3A_89, %mul3A_99 : i32
          %add3A_101 = vector.broadcast %mul3A_100 : i32 to vector<16xi32>
          %add3A_102 = arith.addi %add3A_98, %add3A_101 : vector<16xi32>
          %lt3A = arith.cmpi slt, %add3A_102, %add3A_49 : vector<16xi32>
          %sub3A_103 = arith.constant 1.000000e+00 : f32
          %sub3A_104 = vector.broadcast %sub3A_103 : f32 to vector<16xf32>
          %sub3A_105 = arith.subf %sub3A_104, %get3A_96 : vector<16xf32>
          %jit3A_106 = arith.constant 1.000000e+00 : f32
          %broadcast_in_dim3A_107 = vector.broadcast %jit3A_106 : f32 to vector<16xf32>
          %select_n3A_108 = arith.select %lt3A, %sub3A_105, %broadcast_in_dim3A_107 : vector<16xi1>, vector<16xf32>
          %mul3A_109 = arith.mulf %while3A_90, %select_n3A_108 : vector<16xf32>
          scf.yield %mul3A_109 : vector<16xf32>
        }
        %swap3A_85 = arith.constant 0 : i32
        %swap3A_86 = arith.index_cast %swap3A_85 : i32 to index
        %swap3A_87 = arith.constant 0 : index
        %swap3A_88 = tpu.vector_load %arg9[%swap3A_86, %swap3A_87] {strides = array<i32>} : memref<2x16xf32, #tpu.memory_space<vmem>>, vector<16xf32>,
        tpu.vector_store %arg9[%swap3A_86, %swap3A_87], %while3A_84 {strides = array<i32>} : memref<2x16xf32, #tpu.memory_space<vmem>>, vector<16xf32>,
      } else {
      }
      %swap3A_16 = arith.constant 1 : i32
      %swap3A_17 = arith.index_cast %swap3A_16 : i32 to index
      %swap3A_18 = arith.constant 0 : index
      %swap3A_19 = tpu.vector_load %arg9[%swap3A_17, %swap3A_18] {strides = array<i32>} : memref<2x16xf32, #tpu.memory_space<vmem>>, vector<16xf32>,
      tpu.vector_store %arg9[%swap3A_17, %swap3A_18], %broadcast_in_dim3A_9 {strides = array<i32>} : memref<2x16xf32, #tpu.memory_space<vmem>>, vector<16xf32>,
      %slice3A_20 = vector.extract_strided_slice %get3A_8 {offsets = [1], sizes = [1], strides = [1]} : vector<16xi32> to vector<1xi32>
      %squeeze3A_21 = vector.extract %slice3A_20[0] : i32 from vector<1xi32>
      %gt3A_22 = arith.cmpi sgt, %squeeze3A_21, %mul3A_7 : i32
      %convert_element_type3A_23 = arith.extui %gt3A_22 : i1 to i32
      %cond3A_24 = arith.constant 0 : i32
      %cond3A_25 = arith.cmpi ne, %convert_element_type3A_23, %cond3A_24 : i32
      scf.if %cond3A_25 {
        %run_scoped3A = arith.constant 1 : i32
        %run_scoped3A_26 = arith.constant 1 : i32
        "tpu.region"() ({
          %run_scoped3A_177 = tpu.sem_alloc : memref<!tpu.dma_semaphore, #tpu.memory_space<semaphore_mem>>
          %dma_start3A_178 = arith.constant 0 : i32
          %dma_start3A_179 = tpu.memref_slice %arg6[%run_scoped3A_26, %dma_start3A_178] : memref<2x128xi32, #tpu.memory_space<vmem>> -> memref<1x128xi32, #tpu.memory_space<vmem>>
          %dma_start3A_180 = tpu.memref_squeeze %dma_start3A_179 : memref<1x128xi32, #tpu.memory_space<vmem>> -> memref<128xi32, #tpu.memory_space<vmem>>
          %dma_start3A_181 = tpu.memref_slice %arg3[%run_scoped3A, %mul3A_7] : memref<2x2048xi32, #tpu.memory_space<hbm>> -> memref<1x128xi32, #tpu.memory_space<hbm>>
          %dma_start3A_182 = tpu.memref_squeeze %dma_start3A_181 : memref<1x128xi32, #tpu.memory_space<hbm>> -> memref<128xi32, #tpu.memory_space<hbm>>
          %dma_start3A_183 = arith.constant 0 : i32
          %dma_start3A_184 = tpu.memref_slice %arg6[%run_scoped3A_26, %dma_start3A_183] : memref<2x128xi32, #tpu.memory_space<vmem>> -> memref<1x128xi32, #tpu.memory_space<vmem>>
          %dma_start3A_185 = tpu.memref_squeeze %dma_start3A_184 : memref<1x128xi32, #tpu.memory_space<vmem>> -> memref<128xi32, #tpu.memory_space<vmem>>
          %dma_start3A_186 = tpu.memref_slice %arg3[%run_scoped3A, %mul3A_7] : memref<2x2048xi32, #tpu.memory_space<hbm>> -> memref<1x128xi32, #tpu.memory_space<hbm>>
          %dma_start3A_187 = tpu.memref_squeeze %dma_start3A_186 : memref<1x128xi32, #tpu.memory_space<hbm>> -> memref<128xi32, #tpu.memory_space<hbm>>
          tpu.enqueue_dma source(%dma_start3A_187 : memref<128xi32, #tpu.memory_space<hbm>>) target(%dma_start3A_185 : memref<128xi32, #tpu.memory_space<vmem>>) target_semaphore(%run_scoped3A_177 : memref<!tpu.dma_semaphore, #tpu.memory_space<semaphore_mem>>)
          %dma_wait3A_188 = arith.constant 0 : i32
          %dma_wait3A_189 = tpu.memref_slice %arg6[%run_scoped3A_26, %dma_wait3A_188] : memref<2x128xi32, #tpu.memory_space<vmem>> -> memref<1x128xi32, #tpu.memory_space<vmem>>
          %dma_wait3A_190 = tpu.memref_squeeze %dma_wait3A_189 : memref<1x128xi32, #tpu.memory_space<vmem>> -> memref<128xi32, #tpu.memory_space<vmem>>
          %dma_wait3A_191 = tpu.memref_slice %arg3[%run_scoped3A, %mul3A_7] : memref<2x2048xi32, #tpu.memory_space<hbm>> -> memref<1x128xi32, #tpu.memory_space<hbm>>
          %dma_wait3A_192 = tpu.memref_squeeze %dma_wait3A_191 : memref<1x128xi32, #tpu.memory_space<hbm>> -> memref<128xi32, #tpu.memory_space<hbm>>
          %dma_wait3A_193 = arith.constant 0 : i32
          %dma_wait3A_194 = tpu.memref_slice %arg6[%run_scoped3A_26, %dma_wait3A_193] : memref<2x128xi32, #tpu.memory_space<vmem>> -> memref<1x128xi32, #tpu.memory_space<vmem>>
          %dma_wait3A_195 = tpu.memref_squeeze %dma_wait3A_194 : memref<1x128xi32, #tpu.memory_space<vmem>> -> memref<128xi32, #tpu.memory_space<vmem>>
          %dma_wait3A_196 = tpu.memref_slice %arg3[%run_scoped3A, %mul3A_7] : memref<2x2048xi32, #tpu.memory_space<hbm>> -> memref<1x128xi32, #tpu.memory_space<hbm>>
          %dma_wait3A_197 = tpu.memref_squeeze %dma_wait3A_196 : memref<1x128xi32, #tpu.memory_space<hbm>> -> memref<128xi32, #tpu.memory_space<hbm>>
          tpu.wait_dma2 semaphore(%run_scoped3A_177 : memref<!tpu.dma_semaphore, #tpu.memory_space<semaphore_mem>>) src(%dma_wait3A_197 : memref<128xi32, #tpu.memory_space<hbm>>) dst(%dma_wait3A_195 : memref<128xi32, #tpu.memory_space<vmem>>)
          tpu.yield
        }) : () -> ()
        %get3A_27 = arith.constant 1 : i32
        %get3A_28 = arith.index_cast %get3A_27 : i32 to index
        %get3A_29 = arith.constant 0 : index
        %get3A_30 = tpu.vector_load %arg6[%get3A_28, %get3A_29] {strides = array<i32>} : memref<2x128xi32, #tpu.memory_space<vmem>>, vector<16xi32>,
        %add3A = arith.constant 32768 : i32
        %add3A_31 = vector.broadcast %add3A : i32 to vector<16xi32>
        %add3A_32 = arith.addi %get3A_30, %add3A_31 : vector<16xi32>
        %swap3A_33 = arith.constant 1 : i32
        %swap3A_34 = arith.index_cast %swap3A_33 : i32 to index
        %swap3A_35 = arith.constant 0 : index
        %swap3A_36 = tpu.vector_load %arg6[%swap3A_34, %swap3A_35] {strides = array<i32>} : memref<2x128xi32, #tpu.memory_space<vmem>>, vector<16xi32>,
        tpu.vector_store %arg6[%swap3A_34, %swap3A_35], %add3A_32 {strides = array<i32>} : memref<2x128xi32, #tpu.memory_space<vmem>>, vector<16xi32>,
        %get3A_37 = arith.constant 1 : i32
        %get3A_38 = arith.index_cast %get3A_37 : i32 to index
        %get3A_39 = arith.constant 16 : index
        %get3A_40 = tpu.vector_load %arg6[%get3A_38, %get3A_39] {strides = array<i32>} : memref<2x128xi32, #tpu.memory_space<vmem>>, vector<16xi32>,
        %add3A_41 = arith.constant 32768 : i32
        %add3A_42 = vector.broadcast %add3A_41 : i32 to vector<16xi32>
        %add3A_43 = arith.addi %get3A_40, %add3A_42 : vector<16xi32>
        %swap3A_44 = arith.constant 1 : i32
        %swap3A_45 = arith.index_cast %swap3A_44 : i32 to index
        %swap3A_46 = arith.constant 16 : index
        %swap3A_47 = tpu.vector_load %arg6[%swap3A_45, %swap3A_46] {strides = array<i32>} : memref<2x128xi32, #tpu.memory_space<vmem>>, vector<16xi32>,
        tpu.vector_store %arg6[%swap3A_45, %swap3A_46], %add3A_43 {strides = array<i32>} : memref<2x128xi32, #tpu.memory_space<vmem>>, vector<16xi32>,
        %get3A_48 = arith.constant 1 : i32
        %get3A_49 = arith.index_cast %get3A_48 : i32 to index
        %get3A_50 = arith.constant 32 : index
        %get3A_51 = tpu.vector_load %arg6[%get3A_49, %get3A_50] {strides = array<i32>} : memref<2x128xi32, #tpu.memory_space<vmem>>, vector<16xi32>,
        %add3A_52 = arith.constant 32768 : i32
        %add3A_53 = vector.broadcast %add3A_52 : i32 to vector<16xi32>
        %add3A_54 = arith.addi %get3A_51, %add3A_53 : vector<16xi32>
        %swap3A_55 = arith.constant 1 : i32
        %swap3A_56 = arith.index_cast %swap3A_55 : i32 to index
        %swap3A_57 = arith.constant 32 : index
        %swap3A_58 = tpu.vector_load %arg6[%swap3A_56, %swap3A_57] {strides = array<i32>} : memref<2x128xi32, #tpu.memory_space<vmem>>, vector<16xi32>,
        tpu.vector_store %arg6[%swap3A_56, %swap3A_57], %add3A_54 {strides = array<i32>} : memref<2x128xi32, #tpu.memory_space<vmem>>, vector<16xi32>,
        %get3A_59 = arith.constant 1 : i32
        %get3A_60 = arith.index_cast %get3A_59 : i32 to index
        %get3A_61 = arith.constant 48 : index
        %get3A_62 = tpu.vector_load %arg6[%get3A_60, %get3A_61] {strides = array<i32>} : memref<2x128xi32, #tpu.memory_space<vmem>>, vector<16xi32>,
        %add3A_63 = arith.constant 32768 : i32
        %add3A_64 = vector.broadcast %add3A_63 : i32 to vector<16xi32>
        %add3A_65 = arith.addi %get3A_62, %add3A_64 : vector<16xi32>
        %swap3A_66 = arith.constant 1 : i32
        %swap3A_67 = arith.index_cast %swap3A_66 : i32 to index
        %swap3A_68 = arith.constant 48 : index
        %swap3A_69 = tpu.vector_load %arg6[%swap3A_67, %swap3A_68] {strides = array<i32>} : memref<2x128xi32, #tpu.memory_space<vmem>>, vector<16xi32>,
        tpu.vector_store %arg6[%swap3A_67, %swap3A_68], %add3A_65 {strides = array<i32>} : memref<2x128xi32, #tpu.memory_space<vmem>>, vector<16xi32>,
        %get3A_70 = arith.constant 1 : i32
        %get3A_71 = arith.index_cast %get3A_70 : i32 to index
        %get3A_72 = arith.constant 64 : index
        %get3A_73 = tpu.vector_load %arg6[%get3A_71, %get3A_72] {strides = array<i32>} : memref<2x128xi32, #tpu.memory_space<vmem>>, vector<16xi32>,
        %add3A_74 = arith.constant 32768 : i32
        %add3A_75 = vector.broadcast %add3A_74 : i32 to vector<16xi32>
        %add3A_76 = arith.addi %get3A_73, %add3A_75 : vector<16xi32>
        %swap3A_77 = arith.constant 1 : i32
        %swap3A_78 = arith.index_cast %swap3A_77 : i32 to index
        %swap3A_79 = arith.constant 64 : index
        %swap3A_80 = tpu.vector_load %arg6[%swap3A_78, %swap3A_79] {strides = array<i32>} : memref<2x128xi32, #tpu.memory_space<vmem>>, vector<16xi32>,
        tpu.vector_store %arg6[%swap3A_78, %swap3A_79], %add3A_76 {strides = array<i32>} : memref<2x128xi32, #tpu.memory_space<vmem>>, vector<16xi32>,
        %get3A_81 = arith.constant 1 : i32
        %get3A_82 = arith.index_cast %get3A_81 : i32 to index
        %get3A_83 = arith.constant 80 : index
        %get3A_84 = tpu.vector_load %arg6[%get3A_82, %get3A_83] {strides = array<i32>} : memref<2x128xi32, #tpu.memory_space<vmem>>, vector<16xi32>,
        %add3A_85 = arith.constant 32768 : i32
        %add3A_86 = vector.broadcast %add3A_85 : i32 to vector<16xi32>
        %add3A_87 = arith.addi %get3A_84, %add3A_86 : vector<16xi32>
        %swap3A_88 = arith.constant 1 : i32
        %swap3A_89 = arith.index_cast %swap3A_88 : i32 to index
        %swap3A_90 = arith.constant 80 : index
        %swap3A_91 = tpu.vector_load %arg6[%swap3A_89, %swap3A_90] {strides = array<i32>} : memref<2x128xi32, #tpu.memory_space<vmem>>, vector<16xi32>,
        tpu.vector_store %arg6[%swap3A_89, %swap3A_90], %add3A_87 {strides = array<i32>} : memref<2x128xi32, #tpu.memory_space<vmem>>, vector<16xi32>,
        %get3A_92 = arith.constant 1 : i32
        %get3A_93 = arith.index_cast %get3A_92 : i32 to index
        %get3A_94 = arith.constant 96 : index
        %get3A_95 = tpu.vector_load %arg6[%get3A_93, %get3A_94] {strides = array<i32>} : memref<2x128xi32, #tpu.memory_space<vmem>>, vector<16xi32>,
        %add3A_96 = arith.constant 32768 : i32
        %add3A_97 = vector.broadcast %add3A_96 : i32 to vector<16xi32>
        %add3A_98 = arith.addi %get3A_95, %add3A_97 : vector<16xi32>
        %swap3A_99 = arith.constant 1 : i32
        %swap3A_100 = arith.index_cast %swap3A_99 : i32 to index
        %swap3A_101 = arith.constant 96 : index
        %swap3A_102 = tpu.vector_load %arg6[%swap3A_100, %swap3A_101] {strides = array<i32>} : memref<2x128xi32, #tpu.memory_space<vmem>>, vector<16xi32>,
        tpu.vector_store %arg6[%swap3A_100, %swap3A_101], %add3A_98 {strides = array<i32>} : memref<2x128xi32, #tpu.memory_space<vmem>>, vector<16xi32>,
        %get3A_103 = arith.constant 1 : i32
        %get3A_104 = arith.index_cast %get3A_103 : i32 to index
        %get3A_105 = arith.constant 112 : index
        %get3A_106 = tpu.vector_load %arg6[%get3A_104, %get3A_105] {strides = array<i32>} : memref<2x128xi32, #tpu.memory_space<vmem>>, vector<16xi32>,
        %add3A_107 = arith.constant 32768 : i32
        %add3A_108 = vector.broadcast %add3A_107 : i32 to vector<16xi32>
        %add3A_109 = arith.addi %get3A_106, %add3A_108 : vector<16xi32>
        %swap3A_110 = arith.constant 1 : i32
        %swap3A_111 = arith.index_cast %swap3A_110 : i32 to index
        %swap3A_112 = arith.constant 112 : index
        %swap3A_113 = tpu.vector_load %arg6[%swap3A_111, %swap3A_112] {strides = array<i32>} : memref<2x128xi32, #tpu.memory_space<vmem>>, vector<16xi32>,
        tpu.vector_store %arg6[%swap3A_111, %swap3A_112], %add3A_109 {strides = array<i32>} : memref<2x128xi32, #tpu.memory_space<vmem>>, vector<16xi32>,
        %dma_start3A = arith.constant 1 : i32
        %dma_start3A_114 = arith.constant 1 : i32
        %dma_start3A_115 = arith.constant 0 : i32
        %dma_start3A_116 = tpu.memref_slice %arg7[%dma_start3A_114, %dma_start3A_115] : memref<2x128xf32, #tpu.memory_space<vmem>> -> memref<1x128xf32, #tpu.memory_space<vmem>>
        %dma_start3A_117 = tpu.memref_squeeze %dma_start3A_116 : memref<1x128xf32, #tpu.memory_space<vmem>> -> memref<128xf32, #tpu.memory_space<vmem>>
        %dma_start3A_118 = arith.constant 0 : i32
        %dma_start3A_119 = tpu.memref_slice %arg6[%dma_start3A, %dma_start3A_118] : memref<2x128xi32, #tpu.memory_space<vmem>> -> memref<1x128xi32, #tpu.memory_space<vmem>>
        %dma_start3A_120 = tpu.memref_squeeze %dma_start3A_119 : memref<1x128xi32, #tpu.memory_space<vmem>> -> memref<128xi32, #tpu.memory_space<vmem>>
        %dma_start3A_121 = arith.constant 0 : i32
        %dma_start3A_122 = tpu.memref_slice %arg2[%dma_start3A_121] : memref<524288xf32, #tpu.memory_space<hbm>> -> memref<524288xf32, #tpu.memory_space<hbm>>
        tpu.enqueue_indirect_dma source(%dma_start3A_122 : memref<524288xf32, #tpu.memory_space<hbm>>) target(%dma_start3A_117 : memref<128xf32, #tpu.memory_space<vmem>>) offsets(%dma_start3A_120 : memref<128xi32, #tpu.memory_space<vmem>>) semaphore(%arg13 : memref<!tpu.dma_semaphore, #tpu.memory_space<semaphore_mem>>)
        %dma_wait3A = arith.constant 1 : i32
        %dma_wait3A_123 = arith.constant 1 : i32
        %dma_wait3A_124 = arith.constant 0 : i32
        %dma_wait3A_125 = tpu.memref_slice %arg7[%dma_wait3A_123, %dma_wait3A_124] : memref<2x128xf32, #tpu.memory_space<vmem>> -> memref<1x128xf32, #tpu.memory_space<vmem>>
        %dma_wait3A_126 = tpu.memref_squeeze %dma_wait3A_125 : memref<1x128xf32, #tpu.memory_space<vmem>> -> memref<128xf32, #tpu.memory_space<vmem>>
        %dma_wait3A_127 = arith.constant 0 : i32
        %dma_wait3A_128 = tpu.memref_slice %arg6[%dma_wait3A, %dma_wait3A_127] : memref<2x128xi32, #tpu.memory_space<vmem>> -> memref<1x128xi32, #tpu.memory_space<vmem>>
        %dma_wait3A_129 = tpu.memref_squeeze %dma_wait3A_128 : memref<1x128xi32, #tpu.memory_space<vmem>> -> memref<128xi32, #tpu.memory_space<vmem>>
        %dma_wait3A_130 = arith.constant 0 : i32
        %dma_wait3A_131 = tpu.memref_slice %arg2[%dma_wait3A_130] : memref<524288xf32, #tpu.memory_space<hbm>> -> memref<524288xf32, #tpu.memory_space<hbm>>
        tpu.wait_indirect_dma semaphore(%arg13 : memref<!tpu.dma_semaphore, #tpu.memory_space<semaphore_mem>>) src(%dma_wait3A_131 : memref<524288xf32, #tpu.memory_space<hbm>>) dst(%dma_wait3A_126 : memref<128xf32, #tpu.memory_space<vmem>>)
        %broadcast_in_dim3A_132 = arith.constant 0 : i32
        %broadcast_in_dim3A_133 = vector.broadcast %broadcast_in_dim3A_132 : i32 to vector<16xi32>
        %slice3A_134 = vector.extract_strided_slice %get3A_8 {offsets = [1], sizes = [1], strides = [1]} : vector<16xi32> to vector<1xi32>
        %squeeze3A_135 = vector.extract %slice3A_134[0] : i32 from vector<1xi32>
        %add3A_136 = vector.broadcast %squeeze3A_135 : i32 to vector<16xi32>
        %add3A_137 = arith.addi %broadcast_in_dim3A_133, %add3A_136 : vector<16xi32>
        %slice3A_138 = vector.extract_strided_slice %get3A_8 {offsets = [1], sizes = [1], strides = [1]} : vector<16xi32> to vector<1xi32>
        %squeeze3A_139 = vector.extract %slice3A_138[0] : i32 from vector<1xi32>
        %sub3A = arith.subi %squeeze3A_139, %mul3A_7 : i32
        %add3A_140 = arith.constant 16 : i32
        %add3A_141 = arith.addi %sub3A, %add3A_140 : i32
        %sub3A_142 = arith.constant 1 : i32
        %sub3A_143 = arith.subi %add3A_141, %sub3A_142 : i32
        %jit3A = arith.constant 16 : i32
        %div3A = arith.divsi %sub3A_143, %jit3A : i32
        %sign3A = arith.constant 0 : i32
        %sign3A_144 = arith.cmpi sgt, %sub3A_143, %sign3A : i32
        %sign3A_145 = arith.extui %sign3A_144 : i1 to i32
        %sign3A_146 = arith.constant 0 : i32
        %sign3A_147 = arith.cmpi slt, %sub3A_143, %sign3A_146 : i32
        %sign3A_148 = arith.extui %sign3A_147 : i1 to i32
        %sign3A_149 = arith.subi %sign3A_145, %sign3A_148 : i32
        %sign3A_150 = arith.constant 0 : i32
        %sign3A_151 = arith.cmpi sgt, %jit3A, %sign3A_150 : i32
        %sign3A_152 = arith.extui %sign3A_151 : i1 to i32
        %sign3A_153 = arith.constant 0 : i32
        %sign3A_154 = arith.cmpi slt, %jit3A, %sign3A_153 : i32
        %sign3A_155 = arith.extui %sign3A_154 : i1 to i32
        %sign3A_156 = arith.subi %sign3A_152, %sign3A_155 : i32
        %ne3A = arith.cmpi ne, %sign3A_149, %sign3A_156 : i32
        %rem3A = arith.remsi %sub3A_143, %jit3A : i32
        %ne3A_157 = arith.constant 0 : i32
        %ne3A_158 = arith.cmpi ne, %rem3A, %ne3A_157 : i32
        %and3A_159 = arith.andi %ne3A, %ne3A_158 : i1
        %sub3A_160 = arith.constant 1 : i32
        %sub3A_161 = arith.subi %div3A, %sub3A_160 : i32
        %select_n3A = arith.select %and3A_159, %sub3A_161, %div3A : i32
        %min3A = arith.constant 8 : i32
        %min3A_162 = arith.minsi %min3A, %select_n3A : i32
        %while3A = arith.constant 0 : i32
        %while3A_163 = arith.subi %min3A_162, %while3A : i32
        %while3A_164 = arith.addi %while3A, %while3A_163 : i32
        %while3A_165 = arith.constant 1 : i32
        %while3A_166 = arith.divsi %while3A_163, %while3A_165 : i32
        %while3A_167 = arith.muli %while3A_166, %while3A_165 : i32
        %while3A_168 = arith.addi %while3A, %while3A_167 : i32
        %while3A_169 = arith.constant 1 : i32
        %while3A_170 = scf.for %while3A_177 = %while3A to %while3A_168 step %while3A_169 iter_args(%while3A_178 = %broadcast_in_dim3A_9) -> (vector<16xf32>)  : i32 {
          %mul3A_179 = arith.constant 16 : i32
          %mul3A_180 = arith.muli %while3A_177, %mul3A_179 : i32
          %get3A_181 = arith.constant 1 : i32
          %get3A_182 = arith.index_cast %get3A_181 : i32 to index
          %get3A_183 = arith.index_cast %mul3A_180 : i32 to index
          %get3A_184 = tpu.vector_load %arg7[%get3A_182, %get3A_183] {strides = array<i32>} : memref<2x128xf32, #tpu.memory_space<vmem>>, vector<16xf32>,
          %add3A_185 = vector.broadcast %mul3A_7 : i32 to vector<16xi32>
          %add3A_186 = arith.addi %iota3A, %add3A_185 : vector<16xi32>
          %mul3A_187 = arith.constant 16 : i32
          %mul3A_188 = arith.muli %while3A_177, %mul3A_187 : i32
          %add3A_189 = vector.broadcast %mul3A_188 : i32 to vector<16xi32>
          %add3A_190 = arith.addi %add3A_186, %add3A_189 : vector<16xi32>
          %lt3A = arith.cmpi slt, %add3A_190, %add3A_137 : vector<16xi32>
          %sub3A_191 = arith.constant 1.000000e+00 : f32
          %sub3A_192 = vector.broadcast %sub3A_191 : f32 to vector<16xf32>
          %sub3A_193 = arith.subf %sub3A_192, %get3A_184 : vector<16xf32>
          %jit3A_194 = arith.constant 1.000000e+00 : f32
          %broadcast_in_dim3A_195 = vector.broadcast %jit3A_194 : f32 to vector<16xf32>
          %select_n3A_196 = arith.select %lt3A, %sub3A_193, %broadcast_in_dim3A_195 : vector<16xi1>, vector<16xf32>
          %mul3A_197 = arith.mulf %while3A_178, %select_n3A_196 : vector<16xf32>
          scf.yield %mul3A_197 : vector<16xf32>
        }
        %while3A_171 = arith.constant 1 : i32
        %while3A_172 = scf.for %while3A_177 = %while3A_168 to %while3A_164 step %while3A_171 iter_args(%while3A_178 = %while3A_170) -> (vector<16xf32>)  : i32 {
          %mul3A_179 = arith.constant 16 : i32
          %mul3A_180 = arith.muli %while3A_177, %mul3A_179 : i32
          %get3A_181 = arith.constant 1 : i32
          %get3A_182 = arith.index_cast %get3A_181 : i32 to index
          %get3A_183 = arith.index_cast %mul3A_180 : i32 to index
          %get3A_184 = tpu.vector_load %arg7[%get3A_182, %get3A_183] {strides = array<i32>} : memref<2x128xf32, #tpu.memory_space<vmem>>, vector<16xf32>,
          %add3A_185 = vector.broadcast %mul3A_7 : i32 to vector<16xi32>
          %add3A_186 = arith.addi %iota3A, %add3A_185 : vector<16xi32>
          %mul3A_187 = arith.constant 16 : i32
          %mul3A_188 = arith.muli %while3A_177, %mul3A_187 : i32
          %add3A_189 = vector.broadcast %mul3A_188 : i32 to vector<16xi32>
          %add3A_190 = arith.addi %add3A_186, %add3A_189 : vector<16xi32>
          %lt3A = arith.cmpi slt, %add3A_190, %add3A_137 : vector<16xi32>
          %sub3A_191 = arith.constant 1.000000e+00 : f32
          %sub3A_192 = vector.broadcast %sub3A_191 : f32 to vector<16xf32>
          %sub3A_193 = arith.subf %sub3A_192, %get3A_184 : vector<16xf32>
          %jit3A_194 = arith.constant 1.000000e+00 : f32
          %broadcast_in_dim3A_195 = vector.broadcast %jit3A_194 : f32 to vector<16xf32>
          %select_n3A_196 = arith.select %lt3A, %sub3A_193, %broadcast_in_dim3A_195 : vector<16xi1>, vector<16xf32>
          %mul3A_197 = arith.mulf %while3A_178, %select_n3A_196 : vector<16xf32>
          scf.yield %mul3A_197 : vector<16xf32>
        }
        %swap3A_173 = arith.constant 1 : i32
        %swap3A_174 = arith.index_cast %swap3A_173 : i32 to index
        %swap3A_175 = arith.constant 0 : index
        %swap3A_176 = tpu.vector_load %arg9[%swap3A_174, %swap3A_175] {strides = array<i32>} : memref<2x16xf32, #tpu.memory_space<vmem>>, vector<16xf32>,
        tpu.vector_store %arg9[%swap3A_174, %swap3A_175], %while3A_172 {strides = array<i32>} : memref<2x16xf32, #tpu.memory_space<vmem>>, vector<16xf32>,
      } else {
      }
      "tpu.region"() ({
        %run_scoped3A = tpu.sem_alloc : memref<!tpu.dma_semaphore, #tpu.memory_space<semaphore_mem>>
        %dma_start3A = arith.constant 0 : i32
        %dma_start3A_26 = arith.constant 0 : i32
        %dma_start3A_27 = tpu.memref_slice %arg12[%arg1, %dma_start3A, %dma_start3A_26] : memref<16x2x16xf32, #tpu.memory_space<vmem_shared>> -> memref<1x2x16xf32, #tpu.memory_space<vmem_shared>>
        %dma_start3A_28 = tpu.memref_squeeze %dma_start3A_27 : memref<1x2x16xf32, #tpu.memory_space<vmem_shared>> -> memref<2x16xf32, #tpu.memory_space<vmem_shared>>
        %dma_start3A_29 = arith.constant 0 : i32
        %dma_start3A_30 = arith.constant 0 : i32
        %dma_start3A_31 = tpu.memref_slice %arg12[%arg1, %dma_start3A_29, %dma_start3A_30] : memref<16x2x16xf32, #tpu.memory_space<vmem_shared>> -> memref<1x2x16xf32, #tpu.memory_space<vmem_shared>>
        %dma_start3A_32 = tpu.memref_squeeze %dma_start3A_31 : memref<1x2x16xf32, #tpu.memory_space<vmem_shared>> -> memref<2x16xf32, #tpu.memory_space<vmem_shared>>
        tpu.enqueue_dma source(%arg9 : memref<2x16xf32, #tpu.memory_space<vmem>>) target(%dma_start3A_32 : memref<2x16xf32, #tpu.memory_space<vmem_shared>>) target_semaphore(%run_scoped3A : memref<!tpu.dma_semaphore, #tpu.memory_space<semaphore_mem>>)
        %dma_wait3A = arith.constant 0 : i32
        %dma_wait3A_33 = arith.constant 0 : i32
        %dma_wait3A_34 = tpu.memref_slice %arg12[%arg1, %dma_wait3A, %dma_wait3A_33] : memref<16x2x16xf32, #tpu.memory_space<vmem_shared>> -> memref<1x2x16xf32, #tpu.memory_space<vmem_shared>>
        %dma_wait3A_35 = tpu.memref_squeeze %dma_wait3A_34 : memref<1x2x16xf32, #tpu.memory_space<vmem_shared>> -> memref<2x16xf32, #tpu.memory_space<vmem_shared>>
        %dma_wait3A_36 = arith.constant 0 : i32
        %dma_wait3A_37 = arith.constant 0 : i32
        %dma_wait3A_38 = tpu.memref_slice %arg12[%arg1, %dma_wait3A_36, %dma_wait3A_37] : memref<16x2x16xf32, #tpu.memory_space<vmem_shared>> -> memref<1x2x16xf32, #tpu.memory_space<vmem_shared>>
        %dma_wait3A_39 = tpu.memref_squeeze %dma_wait3A_38 : memref<1x2x16xf32, #tpu.memory_space<vmem_shared>> -> memref<2x16xf32, #tpu.memory_space<vmem_shared>>
        tpu.wait_dma2 semaphore(%run_scoped3A : memref<!tpu.dma_semaphore, #tpu.memory_space<semaphore_mem>>) src(%arg9 : memref<2x16xf32, #tpu.memory_space<vmem>>) dst(%dma_wait3A_39 : memref<2x16xf32, #tpu.memory_space<vmem_shared>>)
        tpu.yield
      }) : () -> ()
    } else {
    }
    %barrier3A = arith.constant 0 : index
    tpu.barrier barrier_id(%barrier3A)
    %eq3A_2 = arith.constant 0 : i32
    %eq3A_3 = arith.cmpi eq, %arg1, %eq3A_2 : i32
    %and3A = arith.andi %eq3A_0, %eq3A_3 : i1
    %convert_element_type3A_4 = arith.extui %and3A : i1 to i32
    %cond3A_5 = arith.constant 0 : i32
    %cond3A_6 = arith.cmpi ne, %convert_element_type3A_4, %cond3A_5 : i32
    scf.if %cond3A_6 {
      "tpu.region"() ({
        %run_scoped3A = tpu.sem_alloc : memref<!tpu.dma_semaphore, #tpu.memory_space<semaphore_mem>>
        tpu.enqueue_dma source(%arg12 : memref<16x2x16xf32, #tpu.memory_space<vmem_shared>>) target(%arg10 : memref<16x2x16xf32, #tpu.memory_space<vmem>>) target_semaphore(%run_scoped3A : memref<!tpu.dma_semaphore, #tpu.memory_space<semaphore_mem>>)
        tpu.wait_dma2 semaphore(%run_scoped3A : memref<!tpu.dma_semaphore, #tpu.memory_space<semaphore_mem>>) src(%arg12 : memref<16x2x16xf32, #tpu.memory_space<vmem_shared>>) dst(%arg10 : memref<16x2x16xf32, #tpu.memory_space<vmem>>)
        tpu.yield
      }) : () -> ()
      %iota3A = tpu.iota {dimensions = array<i32: 0>} : vector<16xi32>
      %broadcast_in_dim3A = arith.constant 0.000000e+00 : f32
      %broadcast_in_dim3A_7 = vector.broadcast %broadcast_in_dim3A : f32 to vector<16xf32>
      %get3A = arith.constant 0 : i32
      %get3A_8 = arith.constant 0 : i32
      %get3A_9 = arith.index_cast %get3A : i32 to index
      %get3A_10 = arith.index_cast %get3A_8 : i32 to index
      %get3A_11 = arith.constant 0 : index
      %get3A_12 = tpu.vector_load %arg10[%get3A_9, %get3A_10, %get3A_11] {strides = array<i32>} : memref<16x2x16xf32, #tpu.memory_space<vmem>>, vector<16xf32>,
      %get3A_13 = arith.constant 1 : i32
      %get3A_14 = arith.constant 0 : i32
      %get3A_15 = arith.index_cast %get3A_13 : i32 to index
      %get3A_16 = arith.index_cast %get3A_14 : i32 to index
      %get3A_17 = arith.constant 0 : index
      %get3A_18 = tpu.vector_load %arg10[%get3A_15, %get3A_16, %get3A_17] {strides = array<i32>} : memref<16x2x16xf32, #tpu.memory_space<vmem>>, vector<16xf32>,
      %mul3A = arith.mulf %get3A_12, %get3A_18 : vector<16xf32>
      %get3A_19 = arith.constant 2 : i32
      %get3A_20 = arith.constant 0 : i32
      %get3A_21 = arith.index_cast %get3A_19 : i32 to index
      %get3A_22 = arith.index_cast %get3A_20 : i32 to index
      %get3A_23 = arith.constant 0 : index
      %get3A_24 = tpu.vector_load %arg10[%get3A_21, %get3A_22, %get3A_23] {strides = array<i32>} : memref<16x2x16xf32, #tpu.memory_space<vmem>>, vector<16xf32>,
      %mul3A_25 = arith.mulf %mul3A, %get3A_24 : vector<16xf32>
      %get3A_26 = arith.constant 3 : i32
      %get3A_27 = arith.constant 0 : i32
      %get3A_28 = arith.index_cast %get3A_26 : i32 to index
      %get3A_29 = arith.index_cast %get3A_27 : i32 to index
      %get3A_30 = arith.constant 0 : index
      %get3A_31 = tpu.vector_load %arg10[%get3A_28, %get3A_29, %get3A_30] {strides = array<i32>} : memref<16x2x16xf32, #tpu.memory_space<vmem>>, vector<16xf32>,
      %mul3A_32 = arith.mulf %mul3A_25, %get3A_31 : vector<16xf32>
      %get3A_33 = arith.constant 4 : i32
      %get3A_34 = arith.constant 0 : i32
      %get3A_35 = arith.index_cast %get3A_33 : i32 to index
      %get3A_36 = arith.index_cast %get3A_34 : i32 to index
      %get3A_37 = arith.constant 0 : index
      %get3A_38 = tpu.vector_load %arg10[%get3A_35, %get3A_36, %get3A_37] {strides = array<i32>} : memref<16x2x16xf32, #tpu.memory_space<vmem>>, vector<16xf32>,
      %mul3A_39 = arith.mulf %mul3A_32, %get3A_38 : vector<16xf32>
      %get3A_40 = arith.constant 5 : i32
      %get3A_41 = arith.constant 0 : i32
      %get3A_42 = arith.index_cast %get3A_40 : i32 to index
      %get3A_43 = arith.index_cast %get3A_41 : i32 to index
      %get3A_44 = arith.constant 0 : index
      %get3A_45 = tpu.vector_load %arg10[%get3A_42, %get3A_43, %get3A_44] {strides = array<i32>} : memref<16x2x16xf32, #tpu.memory_space<vmem>>, vector<16xf32>,
      %mul3A_46 = arith.mulf %mul3A_39, %get3A_45 : vector<16xf32>
      %get3A_47 = arith.constant 6 : i32
      %get3A_48 = arith.constant 0 : i32
      %get3A_49 = arith.index_cast %get3A_47 : i32 to index
      %get3A_50 = arith.index_cast %get3A_48 : i32 to index
      %get3A_51 = arith.constant 0 : index
      %get3A_52 = tpu.vector_load %arg10[%get3A_49, %get3A_50, %get3A_51] {strides = array<i32>} : memref<16x2x16xf32, #tpu.memory_space<vmem>>, vector<16xf32>,
      %mul3A_53 = arith.mulf %mul3A_46, %get3A_52 : vector<16xf32>
      %get3A_54 = arith.constant 7 : i32
      %get3A_55 = arith.constant 0 : i32
      %get3A_56 = arith.index_cast %get3A_54 : i32 to index
      %get3A_57 = arith.index_cast %get3A_55 : i32 to index
      %get3A_58 = arith.constant 0 : index
      %get3A_59 = tpu.vector_load %arg10[%get3A_56, %get3A_57, %get3A_58] {strides = array<i32>} : memref<16x2x16xf32, #tpu.memory_space<vmem>>, vector<16xf32>,
      %mul3A_60 = arith.mulf %mul3A_53, %get3A_59 : vector<16xf32>
      %get3A_61 = arith.constant 8 : i32
      %get3A_62 = arith.constant 0 : i32
      %get3A_63 = arith.index_cast %get3A_61 : i32 to index
      %get3A_64 = arith.index_cast %get3A_62 : i32 to index
      %get3A_65 = arith.constant 0 : index
      %get3A_66 = tpu.vector_load %arg10[%get3A_63, %get3A_64, %get3A_65] {strides = array<i32>} : memref<16x2x16xf32, #tpu.memory_space<vmem>>, vector<16xf32>,
      %mul3A_67 = arith.mulf %mul3A_60, %get3A_66 : vector<16xf32>
      %get3A_68 = arith.constant 9 : i32
      %get3A_69 = arith.constant 0 : i32
      %get3A_70 = arith.index_cast %get3A_68 : i32 to index
      %get3A_71 = arith.index_cast %get3A_69 : i32 to index
      %get3A_72 = arith.constant 0 : index
      %get3A_73 = tpu.vector_load %arg10[%get3A_70, %get3A_71, %get3A_72] {strides = array<i32>} : memref<16x2x16xf32, #tpu.memory_space<vmem>>, vector<16xf32>,
      %mul3A_74 = arith.mulf %mul3A_67, %get3A_73 : vector<16xf32>
      %get3A_75 = arith.constant 10 : i32
      %get3A_76 = arith.constant 0 : i32
      %get3A_77 = arith.index_cast %get3A_75 : i32 to index
      %get3A_78 = arith.index_cast %get3A_76 : i32 to index
      %get3A_79 = arith.constant 0 : index
      %get3A_80 = tpu.vector_load %arg10[%get3A_77, %get3A_78, %get3A_79] {strides = array<i32>} : memref<16x2x16xf32, #tpu.memory_space<vmem>>, vector<16xf32>,
      %mul3A_81 = arith.mulf %mul3A_74, %get3A_80 : vector<16xf32>
      %get3A_82 = arith.constant 11 : i32
      %get3A_83 = arith.constant 0 : i32
      %get3A_84 = arith.index_cast %get3A_82 : i32 to index
      %get3A_85 = arith.index_cast %get3A_83 : i32 to index
      %get3A_86 = arith.constant 0 : index
      %get3A_87 = tpu.vector_load %arg10[%get3A_84, %get3A_85, %get3A_86] {strides = array<i32>} : memref<16x2x16xf32, #tpu.memory_space<vmem>>, vector<16xf32>,
      %mul3A_88 = arith.mulf %mul3A_81, %get3A_87 : vector<16xf32>
      %get3A_89 = arith.constant 12 : i32
      %get3A_90 = arith.constant 0 : i32
      %get3A_91 = arith.index_cast %get3A_89 : i32 to index
      %get3A_92 = arith.index_cast %get3A_90 : i32 to index
      %get3A_93 = arith.constant 0 : index
      %get3A_94 = tpu.vector_load %arg10[%get3A_91, %get3A_92, %get3A_93] {strides = array<i32>} : memref<16x2x16xf32, #tpu.memory_space<vmem>>, vector<16xf32>,
      %mul3A_95 = arith.mulf %mul3A_88, %get3A_94 : vector<16xf32>
      %get3A_96 = arith.constant 13 : i32
      %get3A_97 = arith.constant 0 : i32
      %get3A_98 = arith.index_cast %get3A_96 : i32 to index
      %get3A_99 = arith.index_cast %get3A_97 : i32 to index
      %get3A_100 = arith.constant 0 : index
      %get3A_101 = tpu.vector_load %arg10[%get3A_98, %get3A_99, %get3A_100] {strides = array<i32>} : memref<16x2x16xf32, #tpu.memory_space<vmem>>, vector<16xf32>,
      %mul3A_102 = arith.mulf %mul3A_95, %get3A_101 : vector<16xf32>
      %get3A_103 = arith.constant 14 : i32
      %get3A_104 = arith.constant 0 : i32
      %get3A_105 = arith.index_cast %get3A_103 : i32 to index
      %get3A_106 = arith.index_cast %get3A_104 : i32 to index
      %get3A_107 = arith.constant 0 : index
      %get3A_108 = tpu.vector_load %arg10[%get3A_105, %get3A_106, %get3A_107] {strides = array<i32>} : memref<16x2x16xf32, #tpu.memory_space<vmem>>, vector<16xf32>,
      %mul3A_109 = arith.mulf %mul3A_102, %get3A_108 : vector<16xf32>
      %get3A_110 = arith.constant 15 : i32
      %get3A_111 = arith.constant 0 : i32
      %get3A_112 = arith.index_cast %get3A_110 : i32 to index
      %get3A_113 = arith.index_cast %get3A_111 : i32 to index
      %get3A_114 = arith.constant 0 : index
      %get3A_115 = tpu.vector_load %arg10[%get3A_112, %get3A_113, %get3A_114] {strides = array<i32>} : memref<16x2x16xf32, #tpu.memory_space<vmem>>, vector<16xf32>,
      %mul3A_116 = arith.mulf %mul3A_109, %get3A_115 : vector<16xf32>
      %swap3A = arith.constant 0 : index
      %swap3A_117 = tpu.vector_load %arg11[%swap3A] {strides = array<i32>} : memref<16xf32, #tpu.memory_space<vmem>>, vector<16xf32>,
      tpu.vector_store %arg11[%swap3A], %mul3A_116 {strides = array<i32>} : memref<16xf32, #tpu.memory_space<vmem>>, vector<16xf32>,
      %add3A = arith.constant 8 : i32
      %add3A_118 = vector.broadcast %add3A : i32 to vector<16xi32>
      %add3A_119 = arith.addi %iota3A, %add3A_118 : vector<16xi32>
      %and3A_120 = arith.constant 15 : i32
      %and3A_121 = vector.broadcast %and3A_120 : i32 to vector<16xi32>
      %and3A_122 = arith.andi %add3A_119, %and3A_121 : vector<16xi32>
      %gather3A = tpu.vector_load_idx %arg11[%and3A_122] : memref<16xf32, #tpu.memory_space<vmem>>[vector<16xi32>], vector<16xf32>,
      %mul3A_123 = arith.mulf %mul3A_116, %gather3A : vector<16xf32>
      %swap3A_124 = arith.constant 0 : index
      %swap3A_125 = tpu.vector_load %arg11[%swap3A_124] {strides = array<i32>} : memref<16xf32, #tpu.memory_space<vmem>>, vector<16xf32>,
      tpu.vector_store %arg11[%swap3A_124], %mul3A_123 {strides = array<i32>} : memref<16xf32, #tpu.memory_space<vmem>>, vector<16xf32>,
      %add3A_126 = arith.constant 4 : i32
      %add3A_127 = vector.broadcast %add3A_126 : i32 to vector<16xi32>
      %add3A_128 = arith.addi %iota3A, %add3A_127 : vector<16xi32>
      %and3A_129 = arith.constant 15 : i32
      %and3A_130 = vector.broadcast %and3A_129 : i32 to vector<16xi32>
      %and3A_131 = arith.andi %add3A_128, %and3A_130 : vector<16xi32>
      %gather3A_132 = tpu.vector_load_idx %arg11[%and3A_131] : memref<16xf32, #tpu.memory_space<vmem>>[vector<16xi32>], vector<16xf32>,
      %mul3A_133 = arith.mulf %mul3A_123, %gather3A_132 : vector<16xf32>
      %swap3A_134 = arith.constant 0 : index
      %swap3A_135 = tpu.vector_load %arg11[%swap3A_134] {strides = array<i32>} : memref<16xf32, #tpu.memory_space<vmem>>, vector<16xf32>,
      tpu.vector_store %arg11[%swap3A_134], %mul3A_133 {strides = array<i32>} : memref<16xf32, #tpu.memory_space<vmem>>, vector<16xf32>,
      %add3A_136 = arith.constant 2 : i32
      %add3A_137 = vector.broadcast %add3A_136 : i32 to vector<16xi32>
      %add3A_138 = arith.addi %iota3A, %add3A_137 : vector<16xi32>
      %and3A_139 = arith.constant 15 : i32
      %and3A_140 = vector.broadcast %and3A_139 : i32 to vector<16xi32>
      %and3A_141 = arith.andi %add3A_138, %and3A_140 : vector<16xi32>
      %gather3A_142 = tpu.vector_load_idx %arg11[%and3A_141] : memref<16xf32, #tpu.memory_space<vmem>>[vector<16xi32>], vector<16xf32>,
      %mul3A_143 = arith.mulf %mul3A_133, %gather3A_142 : vector<16xf32>
      %swap3A_144 = arith.constant 0 : index
      %swap3A_145 = tpu.vector_load %arg11[%swap3A_144] {strides = array<i32>} : memref<16xf32, #tpu.memory_space<vmem>>, vector<16xf32>,
      tpu.vector_store %arg11[%swap3A_144], %mul3A_143 {strides = array<i32>} : memref<16xf32, #tpu.memory_space<vmem>>, vector<16xf32>,
      %add3A_146 = arith.constant 1 : i32
      %add3A_147 = vector.broadcast %add3A_146 : i32 to vector<16xi32>
      %add3A_148 = arith.addi %iota3A, %add3A_147 : vector<16xi32>
      %and3A_149 = arith.constant 15 : i32
      %and3A_150 = vector.broadcast %and3A_149 : i32 to vector<16xi32>
      %and3A_151 = arith.andi %add3A_148, %and3A_150 : vector<16xi32>
      %gather3A_152 = tpu.vector_load_idx %arg11[%and3A_151] : memref<16xf32, #tpu.memory_space<vmem>>[vector<16xi32>], vector<16xf32>,
      %mul3A_153 = arith.mulf %mul3A_143, %gather3A_152 : vector<16xf32>
      %sub3A = arith.constant 1.000000e+00 : f32
      %sub3A_154 = vector.broadcast %sub3A : f32 to vector<16xf32>
      %sub3A_155 = arith.subf %sub3A_154, %mul3A_153 : vector<16xf32>
      %add3A_156 = arith.addf %broadcast_in_dim3A_7, %sub3A_155 : vector<16xf32>
      %get3A_157 = arith.constant 0 : i32
      %get3A_158 = arith.constant 1 : i32
      %get3A_159 = arith.index_cast %get3A_157 : i32 to index
      %get3A_160 = arith.index_cast %get3A_158 : i32 to index
      %get3A_161 = arith.constant 0 : index
      %get3A_162 = tpu.vector_load %arg10[%get3A_159, %get3A_160, %get3A_161] {strides = array<i32>} : memref<16x2x16xf32, #tpu.memory_space<vmem>>, vector<16xf32>,
      %get3A_163 = arith.constant 1 : i32
      %get3A_164 = arith.constant 1 : i32
      %get3A_165 = arith.index_cast %get3A_163 : i32 to index
      %get3A_166 = arith.index_cast %get3A_164 : i32 to index
      %get3A_167 = arith.constant 0 : index
      %get3A_168 = tpu.vector_load %arg10[%get3A_165, %get3A_166, %get3A_167] {strides = array<i32>} : memref<16x2x16xf32, #tpu.memory_space<vmem>>, vector<16xf32>,
      %mul3A_169 = arith.mulf %get3A_162, %get3A_168 : vector<16xf32>
      %get3A_170 = arith.constant 2 : i32
      %get3A_171 = arith.constant 1 : i32
      %get3A_172 = arith.index_cast %get3A_170 : i32 to index
      %get3A_173 = arith.index_cast %get3A_171 : i32 to index
      %get3A_174 = arith.constant 0 : index
      %get3A_175 = tpu.vector_load %arg10[%get3A_172, %get3A_173, %get3A_174] {strides = array<i32>} : memref<16x2x16xf32, #tpu.memory_space<vmem>>, vector<16xf32>,
      %mul3A_176 = arith.mulf %mul3A_169, %get3A_175 : vector<16xf32>
      %get3A_177 = arith.constant 3 : i32
      %get3A_178 = arith.constant 1 : i32
      %get3A_179 = arith.index_cast %get3A_177 : i32 to index
      %get3A_180 = arith.index_cast %get3A_178 : i32 to index
      %get3A_181 = arith.constant 0 : index
      %get3A_182 = tpu.vector_load %arg10[%get3A_179, %get3A_180, %get3A_181] {strides = array<i32>} : memref<16x2x16xf32, #tpu.memory_space<vmem>>, vector<16xf32>,
      %mul3A_183 = arith.mulf %mul3A_176, %get3A_182 : vector<16xf32>
      %get3A_184 = arith.constant 4 : i32
      %get3A_185 = arith.constant 1 : i32
      %get3A_186 = arith.index_cast %get3A_184 : i32 to index
      %get3A_187 = arith.index_cast %get3A_185 : i32 to index
      %get3A_188 = arith.constant 0 : index
      %get3A_189 = tpu.vector_load %arg10[%get3A_186, %get3A_187, %get3A_188] {strides = array<i32>} : memref<16x2x16xf32, #tpu.memory_space<vmem>>, vector<16xf32>,
      %mul3A_190 = arith.mulf %mul3A_183, %get3A_189 : vector<16xf32>
      %get3A_191 = arith.constant 5 : i32
      %get3A_192 = arith.constant 1 : i32
      %get3A_193 = arith.index_cast %get3A_191 : i32 to index
      %get3A_194 = arith.index_cast %get3A_192 : i32 to index
      %get3A_195 = arith.constant 0 : index
      %get3A_196 = tpu.vector_load %arg10[%get3A_193, %get3A_194, %get3A_195] {strides = array<i32>} : memref<16x2x16xf32, #tpu.memory_space<vmem>>, vector<16xf32>,
      %mul3A_197 = arith.mulf %mul3A_190, %get3A_196 : vector<16xf32>
      %get3A_198 = arith.constant 6 : i32
      %get3A_199 = arith.constant 1 : i32
      %get3A_200 = arith.index_cast %get3A_198 : i32 to index
      %get3A_201 = arith.index_cast %get3A_199 : i32 to index
      %get3A_202 = arith.constant 0 : index
      %get3A_203 = tpu.vector_load %arg10[%get3A_200, %get3A_201, %get3A_202] {strides = array<i32>} : memref<16x2x16xf32, #tpu.memory_space<vmem>>, vector<16xf32>,
      %mul3A_204 = arith.mulf %mul3A_197, %get3A_203 : vector<16xf32>
      %get3A_205 = arith.constant 7 : i32
      %get3A_206 = arith.constant 1 : i32
      %get3A_207 = arith.index_cast %get3A_205 : i32 to index
      %get3A_208 = arith.index_cast %get3A_206 : i32 to index
      %get3A_209 = arith.constant 0 : index
      %get3A_210 = tpu.vector_load %arg10[%get3A_207, %get3A_208, %get3A_209] {strides = array<i32>} : memref<16x2x16xf32, #tpu.memory_space<vmem>>, vector<16xf32>,
      %mul3A_211 = arith.mulf %mul3A_204, %get3A_210 : vector<16xf32>
      %get3A_212 = arith.constant 8 : i32
      %get3A_213 = arith.constant 1 : i32
      %get3A_214 = arith.index_cast %get3A_212 : i32 to index
      %get3A_215 = arith.index_cast %get3A_213 : i32 to index
      %get3A_216 = arith.constant 0 : index
      %get3A_217 = tpu.vector_load %arg10[%get3A_214, %get3A_215, %get3A_216] {strides = array<i32>} : memref<16x2x16xf32, #tpu.memory_space<vmem>>, vector<16xf32>,
      %mul3A_218 = arith.mulf %mul3A_211, %get3A_217 : vector<16xf32>
      %get3A_219 = arith.constant 9 : i32
      %get3A_220 = arith.constant 1 : i32
      %get3A_221 = arith.index_cast %get3A_219 : i32 to index
      %get3A_222 = arith.index_cast %get3A_220 : i32 to index
      %get3A_223 = arith.constant 0 : index
      %get3A_224 = tpu.vector_load %arg10[%get3A_221, %get3A_222, %get3A_223] {strides = array<i32>} : memref<16x2x16xf32, #tpu.memory_space<vmem>>, vector<16xf32>,
      %mul3A_225 = arith.mulf %mul3A_218, %get3A_224 : vector<16xf32>
      %get3A_226 = arith.constant 10 : i32
      %get3A_227 = arith.constant 1 : i32
      %get3A_228 = arith.index_cast %get3A_226 : i32 to index
      %get3A_229 = arith.index_cast %get3A_227 : i32 to index
      %get3A_230 = arith.constant 0 : index
      %get3A_231 = tpu.vector_load %arg10[%get3A_228, %get3A_229, %get3A_230] {strides = array<i32>} : memref<16x2x16xf32, #tpu.memory_space<vmem>>, vector<16xf32>,
      %mul3A_232 = arith.mulf %mul3A_225, %get3A_231 : vector<16xf32>
      %get3A_233 = arith.constant 11 : i32
      %get3A_234 = arith.constant 1 : i32
      %get3A_235 = arith.index_cast %get3A_233 : i32 to index
      %get3A_236 = arith.index_cast %get3A_234 : i32 to index
      %get3A_237 = arith.constant 0 : index
      %get3A_238 = tpu.vector_load %arg10[%get3A_235, %get3A_236, %get3A_237] {strides = array<i32>} : memref<16x2x16xf32, #tpu.memory_space<vmem>>, vector<16xf32>,
      %mul3A_239 = arith.mulf %mul3A_232, %get3A_238 : vector<16xf32>
      %get3A_240 = arith.constant 12 : i32
      %get3A_241 = arith.constant 1 : i32
      %get3A_242 = arith.index_cast %get3A_240 : i32 to index
      %get3A_243 = arith.index_cast %get3A_241 : i32 to index
      %get3A_244 = arith.constant 0 : index
      %get3A_245 = tpu.vector_load %arg10[%get3A_242, %get3A_243, %get3A_244] {strides = array<i32>} : memref<16x2x16xf32, #tpu.memory_space<vmem>>, vector<16xf32>,
      %mul3A_246 = arith.mulf %mul3A_239, %get3A_245 : vector<16xf32>
      %get3A_247 = arith.constant 13 : i32
      %get3A_248 = arith.constant 1 : i32
      %get3A_249 = arith.index_cast %get3A_247 : i32 to index
      %get3A_250 = arith.index_cast %get3A_248 : i32 to index
      %get3A_251 = arith.constant 0 : index
      %get3A_252 = tpu.vector_load %arg10[%get3A_249, %get3A_250, %get3A_251] {strides = array<i32>} : memref<16x2x16xf32, #tpu.memory_space<vmem>>, vector<16xf32>,
      %mul3A_253 = arith.mulf %mul3A_246, %get3A_252 : vector<16xf32>
      %get3A_254 = arith.constant 14 : i32
      %get3A_255 = arith.constant 1 : i32
      %get3A_256 = arith.index_cast %get3A_254 : i32 to index
      %get3A_257 = arith.index_cast %get3A_255 : i32 to index
      %get3A_258 = arith.constant 0 : index
      %get3A_259 = tpu.vector_load %arg10[%get3A_256, %get3A_257, %get3A_258] {strides = array<i32>} : memref<16x2x16xf32, #tpu.memory_space<vmem>>, vector<16xf32>,
      %mul3A_260 = arith.mulf %mul3A_253, %get3A_259 : vector<16xf32>
      %get3A_261 = arith.constant 15 : i32
      %get3A_262 = arith.constant 1 : i32
      %get3A_263 = arith.index_cast %get3A_261 : i32 to index
      %get3A_264 = arith.index_cast %get3A_262 : i32 to index
      %get3A_265 = arith.constant 0 : index
      %get3A_266 = tpu.vector_load %arg10[%get3A_263, %get3A_264, %get3A_265] {strides = array<i32>} : memref<16x2x16xf32, #tpu.memory_space<vmem>>, vector<16xf32>,
      %mul3A_267 = arith.mulf %mul3A_260, %get3A_266 : vector<16xf32>
      %swap3A_268 = arith.constant 0 : index
      %swap3A_269 = tpu.vector_load %arg11[%swap3A_268] {strides = array<i32>} : memref<16xf32, #tpu.memory_space<vmem>>, vector<16xf32>,
      tpu.vector_store %arg11[%swap3A_268], %mul3A_267 {strides = array<i32>} : memref<16xf32, #tpu.memory_space<vmem>>, vector<16xf32>,
      %add3A_270 = arith.constant 8 : i32
      %add3A_271 = vector.broadcast %add3A_270 : i32 to vector<16xi32>
      %add3A_272 = arith.addi %iota3A, %add3A_271 : vector<16xi32>
      %and3A_273 = arith.constant 15 : i32
      %and3A_274 = vector.broadcast %and3A_273 : i32 to vector<16xi32>
      %and3A_275 = arith.andi %add3A_272, %and3A_274 : vector<16xi32>
      %gather3A_276 = tpu.vector_load_idx %arg11[%and3A_275] : memref<16xf32, #tpu.memory_space<vmem>>[vector<16xi32>], vector<16xf32>,
      %mul3A_277 = arith.mulf %mul3A_267, %gather3A_276 : vector<16xf32>
      %swap3A_278 = arith.constant 0 : index
      %swap3A_279 = tpu.vector_load %arg11[%swap3A_278] {strides = array<i32>} : memref<16xf32, #tpu.memory_space<vmem>>, vector<16xf32>,
      tpu.vector_store %arg11[%swap3A_278], %mul3A_277 {strides = array<i32>} : memref<16xf32, #tpu.memory_space<vmem>>, vector<16xf32>,
      %add3A_280 = arith.constant 4 : i32
      %add3A_281 = vector.broadcast %add3A_280 : i32 to vector<16xi32>
      %add3A_282 = arith.addi %iota3A, %add3A_281 : vector<16xi32>
      %and3A_283 = arith.constant 15 : i32
      %and3A_284 = vector.broadcast %and3A_283 : i32 to vector<16xi32>
      %and3A_285 = arith.andi %add3A_282, %and3A_284 : vector<16xi32>
      %gather3A_286 = tpu.vector_load_idx %arg11[%and3A_285] : memref<16xf32, #tpu.memory_space<vmem>>[vector<16xi32>], vector<16xf32>,
      %mul3A_287 = arith.mulf %mul3A_277, %gather3A_286 : vector<16xf32>
      %swap3A_288 = arith.constant 0 : index
      %swap3A_289 = tpu.vector_load %arg11[%swap3A_288] {strides = array<i32>} : memref<16xf32, #tpu.memory_space<vmem>>, vector<16xf32>,
      tpu.vector_store %arg11[%swap3A_288], %mul3A_287 {strides = array<i32>} : memref<16xf32, #tpu.memory_space<vmem>>, vector<16xf32>,
      %add3A_290 = arith.constant 2 : i32
      %add3A_291 = vector.broadcast %add3A_290 : i32 to vector<16xi32>
      %add3A_292 = arith.addi %iota3A, %add3A_291 : vector<16xi32>
      %and3A_293 = arith.constant 15 : i32
      %and3A_294 = vector.broadcast %and3A_293 : i32 to vector<16xi32>
      %and3A_295 = arith.andi %add3A_292, %and3A_294 : vector<16xi32>
      %gather3A_296 = tpu.vector_load_idx %arg11[%and3A_295] : memref<16xf32, #tpu.memory_space<vmem>>[vector<16xi32>], vector<16xf32>,
      %mul3A_297 = arith.mulf %mul3A_287, %gather3A_296 : vector<16xf32>
      %swap3A_298 = arith.constant 0 : index
      %swap3A_299 = tpu.vector_load %arg11[%swap3A_298] {strides = array<i32>} : memref<16xf32, #tpu.memory_space<vmem>>, vector<16xf32>,
      tpu.vector_store %arg11[%swap3A_298], %mul3A_297 {strides = array<i32>} : memref<16xf32, #tpu.memory_space<vmem>>, vector<16xf32>,
      %add3A_300 = arith.constant 1 : i32
      %add3A_301 = vector.broadcast %add3A_300 : i32 to vector<16xi32>
      %add3A_302 = arith.addi %iota3A, %add3A_301 : vector<16xi32>
      %and3A_303 = arith.constant 15 : i32
      %and3A_304 = vector.broadcast %and3A_303 : i32 to vector<16xi32>
      %and3A_305 = arith.andi %add3A_302, %and3A_304 : vector<16xi32>
      %gather3A_306 = tpu.vector_load_idx %arg11[%and3A_305] : memref<16xf32, #tpu.memory_space<vmem>>[vector<16xi32>], vector<16xf32>,
      %mul3A_307 = arith.mulf %mul3A_297, %gather3A_306 : vector<16xf32>
      %sub3A_308 = arith.constant 1.000000e+00 : f32
      %sub3A_309 = vector.broadcast %sub3A_308 : f32 to vector<16xf32>
      %sub3A_310 = arith.subf %sub3A_309, %mul3A_307 : vector<16xf32>
      %add3A_311 = arith.addf %add3A_156, %sub3A_310 : vector<16xf32>
      %swap3A_312 = arith.constant 0 : index
      %swap3A_313 = tpu.vector_load %arg11[%swap3A_312] {strides = array<i32>} : memref<16xf32, #tpu.memory_space<vmem>>, vector<16xf32>,
      tpu.vector_store %arg11[%swap3A_312], %add3A_311 {strides = array<i32>} : memref<16xf32, #tpu.memory_space<vmem>>, vector<16xf32>,
      "tpu.region"() ({
        %run_scoped3A = tpu.sem_alloc : memref<!tpu.dma_semaphore, #tpu.memory_space<semaphore_mem>>
        %dma_start3A = arith.constant 0 : i32
        %dma_start3A_314 = tpu.memref_slice %arg11[%dma_start3A] : memref<16xf32, #tpu.memory_space<vmem>> -> memref<1xf32, #tpu.memory_space<vmem>>
        %dma_start3A_315 = arith.constant 0 : i32
        %dma_start3A_316 = tpu.memref_slice %arg11[%dma_start3A_315] : memref<16xf32, #tpu.memory_space<vmem>> -> memref<1xf32, #tpu.memory_space<vmem>>
        tpu.enqueue_dma source(%dma_start3A_316 : memref<1xf32, #tpu.memory_space<vmem>>) target(%arg5 : memref<1xf32, #tpu.memory_space<hbm>>) target_semaphore(%run_scoped3A : memref<!tpu.dma_semaphore, #tpu.memory_space<semaphore_mem>>)
        %dma_wait3A = arith.constant 0 : i32
        %dma_wait3A_317 = tpu.memref_slice %arg11[%dma_wait3A] : memref<16xf32, #tpu.memory_space<vmem>> -> memref<1xf32, #tpu.memory_space<vmem>>
        %dma_wait3A_318 = arith.constant 0 : i32
        %dma_wait3A_319 = tpu.memref_slice %arg11[%dma_wait3A_318] : memref<16xf32, #tpu.memory_space<vmem>> -> memref<1xf32, #tpu.memory_space<vmem>>
        tpu.wait_dma2 semaphore(%run_scoped3A : memref<!tpu.dma_semaphore, #tpu.memory_space<semaphore_mem>>) src(%dma_wait3A_319 : memref<1xf32, #tpu.memory_space<vmem>>) dst(%arg5 : memref<1xf32, #tpu.memory_space<hbm>>)
        tpu.yield
      }) : () -> ()
    } else {
    }
    return
  }
}

</mosaic_0001>

<sc_bundles>
// kernel: kernel.3.cloned.1.call-start
scs
__scs_entry_jumppad:
0x0: {  	(pc) =	sbr.rel $0x88, $3  }
0x1: {  	(tag) =	ssettag $0x0;
	lr =	simm.s32 $0x1  }
0x2: {  	[smem:$0x3F9E] =	sst lr;
	_ =	strace $0xD0000000  }
0x3: {  	_ = 	snop  }
0x4: {  	_ = 	snop  }
0x5: {  	_ = 	snop  }
0x6: {  	_ = 	snop  }
0x7: {  	_ = 	snop  }
__scs_overlays_trampoline_lowered:
0x8: {  	[smem:$0x3FAD] =	sst s0  }
0x9: {  	[smem:$0x3FAE] =	sst s1  }
0xa: {  	[smem:$0x3FAF] =	sst s2  }
0xb: {  	[smem:$0x3FB0] =	sst s3  }
0xc: {  	[smem:$0x3FB1] =	sst s4  }
0xd: {  	[smem:$0x3FB2] =	sst s5  }
0xe: {  	[smem:$0x3FB3] =	sst s6  }
0xf: {  	[smem:$0x3FB4] =	sst s7  }
0x10: {  	[smem:$0x3FB5] =	sst s8  }
0x11: {  	[smem:$0x3FB6] =	sst s9;
	s0 =	simm.s32 @!p0 $0x0  }
0x12: {  	s1 =	sld [smem:$0x3F9C];
	s0 =	simm.s32 @p0 $0x1  }
0x13: {  	[smem:$0x3FB7] =	sst s0;
	s0 =	simm.s32 @!p1 $0x0  }
0x14: {  	s2 =	sld [smem:$0x3F9B];
	s0 =	simm.s32 @p1 $0x1  }
0x15: {  	[smem:$0x3FB8] =	sst s0;
	s0 =	simm.s32 @!p2 $0x0  }
0x16: {  	s3 =	sld [smem:$0x3FDB];
	s0 =	simm.s32 @p2 $0x1  }
0x17: {  	s4 =	simm.s32 $0x1BF5;
	[smem:$0x3FBA] =	sst s0  }
0x18: {  	s0 =	sld [smem:$0x3F9D];
	_ =	swait.ge [sflag:s4], $0x0  }
0x19: {  	s7 =	sld [smem:$0x3F9E]  }
0x1a: {  	s8 =	sadd.s32 $0xFFFFE003, lr  }
0x1b: {  	s9 =	sadd.s32 $0xFFFFFEF7, lr;
	s5 =	simm.s32 $0xFFFFFFFF;
	p2 =	slt.u32 s8, $0xFFFFF086  }
0x1c: {  	p1 =	slt.u32 s9, $0xF7A;
	s5 =	simm.s32 @!p2 $0x0  }
0x1d: {  	s5 =	simm.s32 @p1 $0x1;
	p0 =	seq.s32 s7, s2  }
0x1e: {  	s7 =	smul.u32 @!p0 $0xF7A, s2;
	p2 =	seq.s32 @!p0 s5, $0x0  }
0x1f: {  	s9 =	smul.u32 $0xF7A, s1;
	s8 =	simm.s32 @!p0 $0x1BF5;
	p2 =	por !p2, p0  }
0x20: {  	[sflag:s8] =	ssyncset.s32 @!p0 $0xFFFFF086;
	s6 =	sadd.s32 @!p0 s3, s7;
	s7 =	simm.s32 @!p0 $0x108  }
0x21: {  	s3 =	sadd.s32 s3, s9;
	s6 =	sadd.s32 @!p0 $0x88, s6;
	s7 =	simm.s32 @p2 $0x1082  }
0x22: {  	[simem:s7], [sflag:s8] =	dma.local @!p0 [hbm:s6], $0xF7A  }
0x23: {  	s9 =	sor.u32 $0xD0000000, s2;
	s6 =	simm.s32 $0x108;
	_ =	swait.ge @!p0 [sflag:s8], $0x0  }
0x24: {  	s3 =	sadd.s32 $0x88, s3;
	s6 =	simm.s32 @!p1 $0x1082;
	[sflag:s4] =	ssyncset.s32 $0xFFFFF086  }
0x25: {  	[simem:s6], [sflag:s4] =	dma.local [hbm:s3], $0xF7A  }
0x26: {  	[smem:$0x3F9E] =	sst s1;
	(tag) =	ssettag s2;
	_ =	strace s9  }
0x27: {  	s1 =	sld [smem:$0x3FAE]  }
0x28: {  	s2 =	sld [smem:$0x3FAF]  }
0x29: {  	s4 =	sld [smem:$0x3FB1]  }
0x2a: {  	p0 =	seq.s32 s5, $0x0;
	s5 =	sld [smem:$0x3FB2]  }
0x2b: {  	s6 =	sld [smem:$0x3FB3]  }
0x2c: {  	s7 =	sld [smem:$0x3FB4]  }
0x2d: {  	s3 =	simm.s32 $0x108;
	s8 =	sld [smem:$0x3FB5]  }
0x2e: {  	s3 =	simm.s32 @!p0 $0x1082;
	s9 =	sld [smem:$0x3FB6]  }
0x2f: {  	lr =	sadd.s32 s0, s3;
	s0 =	sld [smem:$0x3FAD]  }
0x30: {  	s3 =	sld [smem:$0x3FB0]  }
0x31: {  	[smem:$0x3FB9] =	sst s10  }
0x32: {  	s10 =	sld [smem:$0x3FB7];
	_ =	sdelay $0x3  }
0x33: {  	p0 =	seq.s32 s10, $0x1;
	s10 =	sld [smem:$0x3FB9];
	_ =	sdelay $0x3  }
0x34: {  	[smem:$0x3FB9] =	sst s10  }
0x35: {  	s10 =	sld [smem:$0x3FB8];
	_ =	sdelay $0x3  }
0x36: {  	p1 =	seq.s32 s10, $0x1;
	s10 =	sld [smem:$0x3FB9];
	_ =	sdelay $0x3  }
0x37: {  	[smem:$0x3FB9] =	sst s10  }
0x38: {  	s10 =	sld [smem:$0x3FBA]  }
0x39: {  	_ = 	snop;
	(pc) =	sbr.ind lr, $3  }
0x3a: {  	_ = 	snop  }
0x3b: {  	_ = 	snop  }
0x3c: {  	p2 =	seq.s32 s10, $0x1;
	s10 =	sld [smem:$0x3FB9]  }
0x3d: {  	_ =	shalt  }
0x3e: {  	_ =	shalt  }
0x3f: {  	_ =	shalt  }
0x40: {  	_ =	shalt  }
0x41: {  	_ =	shalt  }
0x42: {  	_ =	shalt  }
0x43: {  	_ =	shalt  }
0x44: {  	_ =	shalt  }
0x45: {  	_ =	shalt  }
0x46: {  	_ =	shalt  }
0x47: {  	_ =	shalt  }
0x48: {  	_ =	shalt  }
0x49: {  	_ =	shalt  }
0x4a: {  	_ =	shalt  }
0x4b: {  	_ =	shalt  }
0x4c: {  	_ =	shalt  }
0x4d: {  	_ =	shalt  }
0x4e: {  	_ =	shalt  }
0x4f: {  	_ =	shalt  }
0x50: {  	_ =	shalt  }
0x51: {  	_ =	shalt  }
0x52: {  	_ =	shalt  }
0x53: {  	_ =	shalt  }
0x54: {  	_ =	shalt  }
0x55: {  	_ =	shalt  }
0x56: {  	_ =	shalt  }
0x57: {  	_ =	shalt  }
0x58: {  	_ =	shalt  }
0x59: {  	_ =	shalt  }
0x5a: {  	_ =	shalt  }
0x5b: {  	_ =	shalt  }
0x5c: {  	_ =	shalt  }
0x5d: {  	_ =	shalt  }
0x5e: {  	_ =	shalt  }
0x5f: {  	_ =	shalt  }
0x60: {  	_ =	shalt  }
0x61: {  	_ =	shalt  }
0x62: {  	_ =	shalt  }
0x63: {  	_ =	shalt  }
0x64: {  	_ =	shalt  }
0x65: {  	_ =	shalt  }
0x66: {  	_ =	shalt  }
0x67: {  	_ =	shalt  }
0x68: {  	_ =	shalt  }
0x69: {  	_ =	shalt  }
0x6a: {  	_ =	shalt  }
0x6b: {  	_ =	shalt  }
0x6c: {  	_ =	shalt  }
0x6d: {  	_ =	shalt  }
0x6e: {  	_ =	shalt  }
0x6f: {  	_ =	shalt  }
0x70: {  	_ =	shalt  }
0x71: {  	_ =	shalt  }
0x72: {  	_ =	shalt  }
0x73: {  	_ =	shalt  }
0x74: {  	_ =	shalt  }
0x75: {  	_ =	shalt  }
0x76: {  	_ =	shalt  }
0x77: {  	_ =	shalt  }
0x78: {  	_ =	shalt  }
0x79: {  	_ =	shalt  }
0x7a: {  	_ =	shalt  }
0x7b: {  	_ =	shalt  }
0x7c: {  	_ =	shalt  }
0x7d: {  	_ =	shalt  }
0x7e: {  	_ =	shalt  }
0x7f: {  	_ =	shalt  }
0x80: {  	_ =	shalt  }
0x81: {  	_ =	shalt  }
0x82: {  	_ =	shalt  }
0x83: {  	_ =	shalt  }
0x84: {  	_ =	shalt  }
0x85: {  	_ =	shalt  }
0x86: {  	_ =	shalt  }
0x87: {  	_ =	shalt  }
.Lfunc_end0:
.L_simem_size_0:
called_computation_lowered:
.L_overlay_start_0:
0x88: {  	s2 =	sld [smem:$0x3FD9]  }
0x89: {  	s3 =	sld [smem:$0x3FFE];
	_ =	sdelay $0x1  }
0x8a: {  	s1 =	srdreg.scid  }
0x8b: {  	s0 =	sand.u32 $0x1, s1  }
0x8c: {  	s17 =	sshll.u32 s0, $0xA;
	s2 =	sadd.s32 s3, s2  }
0x8d: {  	s2 =	sadd.s32 s2, s17  }
0x8e: {  	[smem:$0x3FC5] =	sst s2  }
0x8f: {  	_ = 	snop  }
0x90: {  	s2 =	sld [smem:$0x3FC7]  }
0x91: {  	s18 =	sld [smem:$0x3FD0];
	(tm) =	ssettm $0x1  }
0x92: {  	s4 =	sld [smem:$0x3FFB];
	_ =	sdelay $0x3  }
0x93: {  	_ =	strace s4  }
0x94: {  	s4 =	sld [smem:$0x3FFC];
	_ =	sdelay $0x3  }
0x95: {  	_ =	strace s4  }
0x96: {  	s4 =	sld [smem:$0x3FFD];
	_ =	sdelay $0x3  }
0x97: {  	_ =	strace s4  }
0x98: {  	_ =	strace $0x8FFFFFFF  }
0x99: {  	s19 =	sld [smem:$0x3FDB];
	_ =	sdelay $0x1  }
0x9a: {  	s5 =	simm.s32 $_scs_section_size  }
0x9b: {  	s6 =	simm.s32 $_size__tile_overlayer_lowered;
	s7 =	simm.s32 $_tile_overlayer_lowered  }
0x9c: {  	s22 =	simm.s32 $0x1BFF;
	s21 =	sshll.u32 s7, $0x1;
	s4 =	sadd.s32 s5, s19  }
0x9d: {  	s8 =	simm.s32 $0x0;
	s20 =	sshll.u32 s6, $0x1;
	s6 =	sadd.s32 s21, s4  }
0x9e: {  	[timem:s8], [sflag:s22] =	dma.local [hbm:s6], s20  }
0x9f: {  	_ =	swait.ge [sflag:s22], s20  }
0xa0: {  	s5 =	ssub.s32 $0x0, s20;
	[sflag:s22] =	ssyncset.done $0x0  }
0xa1: {  	[sflag:s22] =	ssyncadd.s32 s5;
	_ =	sdelay $0x1  }
0xa2: {  	s23 =	simm.s32 $0x1B8B  }
0xa3: {  	_ =	swait.ge [sflag:s23], $0x1  }
0xa4: {  	[sflag:s23] =	ssyncset.done $0x0  }
0xa5: {  	s25 =	simm.s32 $0x1B8E;
	s24 =	sld [smem:$0x3FFE];
	[sflag:s23] =	ssyncadd.s32 $0xFFFFFFFF  }
0xa6: {  	s26 =	simm.s32 $execute0_lowered;
	[smem:$0x3FD2] =	sst s25  }
0xa7: {  	s6 =	sshll.u32 s26, $0x1;
	_ =	strace $0x80000046;
	[dreg:$0x1] =	wrdreg $0xFFFFFFFF  }
0xa8: {  	s28 =	simm.s32 $_size_execute0_lowered;
	s4 =	sadd.s32 s4, s6;
	[dreg:$0x0] =	wrdreg $0x0  }
0xa9: {  	s6 =	sshll.u32 s28, $0x1;
	[dreg:$0x2] =	wrdreg s4  }
0xaa: {  	[dreg:$0x3] =	wrdreg s6  }
0xab: {  	[dreg:$0x4] =	wrdreg $0xC0  }
0xac: {  	_ =	task [dreg:s8], $0x5FFFF  }
0xad: {  	[dreg:$0x1] =	wrdreg $0xFFFFFFFF  }
0xae: {  	[dreg:$0x0] =	wrdreg $0x60  }
0xaf: {  	[dreg:$0x2] =	wrdreg s24  }
0xb0: {  	[dreg:$0x3] =	wrdreg s2  }
0xb1: {  	[dreg:$0x4] =	wrdreg s18  }
0xb2: {  	[dreg:$0x5] =	wrdreg $0x14000  }
0xb3: {  	[dreg:$0x6] =	wrdreg $0x9  }
0xb4: {  	_ =	task.clear_ibuf [dreg:s8], $0x7FFFF;
	_ =	strace $0x90000046  }
0xb5: {  	s29 =	simm.s32 $0x9;
	_ =	strace $0x80000048  }
0xb6: {  	_ =	swait.ge [sflag:s29], $0x1  }
0xb7: {  	[sflag:s29] =	ssyncadd.s32 $0xFFFFFFFF  }
0xb8: {  	_ =	strace $0x90000048  }
0xb9: {  	_ =	sfence  }
0xba: {  	s30 =	sld [smem:$0x0];
	_ =	sdelay $0x2  }
0xbb: {  	s31 =	sshll.u32 s1, $0xD;
	s1 =	sshrl.u32 s1, $0x2  }
0xbc: {  	s3 =	sand.u32 $0x4000, s31;
	s1 =	sadd.s32 s1, s30  }
0xbd: {  	s0 =	sor.u32 s3, s0;
	s1 =	sshll.u32 s1, $0x11  }
0xbe: {  	s0 =	sor.u32 s1, s0  }
0xbf: {  	s0 =	sadd.s32 $0x8F2B, s0  }
0xc0: {  	[sflag:s0] =	ssyncadd.remote.s32 $0x1  }
0xc1: {  	_ =	sfence.sel $0xFFFF  }
0xc2: {  	[dreg:$0x0] =	wrdreg $0xFFFFFFFF;
	(pc) =	sbr.abs _section_cstart, $3  }
0xc3: {  	[dreg:$0x1] =	wrdreg $0xFFFFFFFF  }
0xc4: {  	_ =	task.clear_ibuf [dreg:s8], $0x2FFFF;
	_ =	strace $0x9FFFFFFF  }
0xc5: {  	(tm) =	ssettm $0x7FFFFFFF  }
tec
execute0_lowered:
.L_overlay_start_1:
0x0: {  	(tag) =	ssettag $0x1  }
0x1: {  	s7 =	rddreg [dreg:$0x0]  }
0x2: {  	s1 =	rddreg [dreg:$0x1]  }
0x3: {  	s2 =	rddreg [dreg:$0x2]  }
0x4: {  	s3 =	rddreg [dreg:$0x3]  }
0x5: {  	v0 =	vimm.s32 $0x76543210;
	v1 =	vimm.s32 $0xFEDCBA98;
	s0 =	rddreg [dreg:$0x4]  }
0x6: {  	s4 =	simm.s32 $0x0;
	s6 =	srdreg.scid;
	v2 =	vimm.s32 $0x3210FEDC;
	s5 =	stileid.u32;
	v3 =	vimm.s32 $0xBA987654;
	v4 =	vimm.s32 $0x10FEDCBA  }
0x7: {  	v5 =	vimm.s32 $0x98765432;
	v6 =	vimm.s32 $0xFEDCBA9;
	v7 =	vimm.s32 $0x87654321;
	s14 =	simm.s32 $0x2;
	s15 =	simm.s32 $0x80;
	s16 =	simm.s32 $0x100  }
0x8: {  	s17 =	simm.s32 $0x1;
	s18 =	simm.s32 $0x180;
	s19 =	simm.s32 $0x280;
	v0 =	vunpack.c.l.s4.s8 v0;
	v1 =	vunpack.c.l.s4.s8 v1;
	v2 =	vunpack.c.l.s4.s8 v2  }
0x9: {  	s21 =	simm.s32 $0x1380;
	s22 =	simm.s32 $0x0;
	[smem:$0x7FF] =	sst s4;
	v3 =	vunpack.c.l.s4.s8 v3;
	v4 =	vunpack.c.l.s4.s8 v4;
	v5 =	vunpack.c.l.s4.s8 v5  }
0xa: {  	s13 =	sand.u32 $0x1, s6;
	s8 =	sshll.u32 s5, $0x5;
	s6 =	sadd.s32 $0x600, s7;
	v6 =	vunpack.c.l.s4.s8 v6;
	v7 =	vunpack.c.l.s4.s8 v7;
	v2 =	vunpack.c.0.s8.s32 v2  }
0xb: {  	s12 =	sshll.u32 s5, $0x8;
	_ =	strace $0x80000047;
	s9 =	ssub.s32 $0x2, s13;
	v3 =	vunpack.c.0.s8.s32 v3;
	v4 =	vunpack.c.0.s8.s32 v4;
	v5 =	vunpack.c.0.s8.s32 v5  }
.Ltmp0:
0xc: {  	s10 =	sadd.s32 s8, s7;
	s7 =	sshll.u32 s5, $0x7;
	v1 =	vunpack.c.0.s8.s32 v1;
	v6 =	vunpack.c.0.s8.s32 v6;
	v7 =	vunpack.c.0.s8.s32 v7;
	(pc) =	sbr.rel .LBB2_1-.Ltmp0, $4  }
0xd: {  	s20 =	sor.u32 s5, s13;
	p0 =	sne.s32 s13, $0x0;
	s13 =	simm.s32 $0x200;
	v3 =	vcombine.low v3, v2;
	v2 =	vunpack.c.0.s8.s32 v0;
	v4 =	vcombine.low v5, v4  }
0xe: {  	s31 =	sshrl.u32 s9, $0x1;
	s8 =	sadd.s32 $0x400, s10;
	p1 =	sne.s32 s20, $0x0;
	v0 =	vlaneseq.u32;
	v5 =	vand.u32 $0xF, v1;
	v6 =	vcombine.low v7, v6  }
0xf: {  	s20 =	simm.s32 $0x380;
	s11 =	ssub.s32 s9, s31;
	s9 =	sadd.s32 $0x410, s10;
	v1 =	vimm.f32 $1.000000000e+00;
	v0 =	vor.u32 s7, v0;
	v2 =	vcombine.low v5, v2  }
0x10: {  	s10 =	sadd.s32 s12, s3;
	s12 =	ssub.s32 $0xF, s7;
	s11 =	smax.u32 s11, $0x1;
	v3 =	vand.u32 $0xF, v3;
	v4 =	vand.u32 $0xF, v4;
	v5 =	vand.u32 $0xF, v6  }
.LBB2_11:
0x11: {  	v6 =	vimm.f32 $1.000000000e+00  }
.LBB2_19:
0x12: {  	[tilespmem:$0x300] =	vst v6  }
.LBB2_20:
0x13: {  	[spmem:s10] =	stream.linear.scatter [tilespmem:s19], [sflag:$0x2], $0x100, $0x38;
	[tilespmem:$0x1420] =	vst v63  }
0x14: {  	_ =	swait.ge [sflag:s14], $0x100  }
0x15: {  	[sflag:s14] =	ssyncset.done $0x0  }
0x16: {  	[sflag:s14] =	ssyncadd.s32 $0xFFFFFF00  }
.LBB2_21:
.Ltmp1:
0x17: {  	(pc) =	sbr.rel @!p1 .LBB2_22-.Ltmp1, $2  }
0x18: {  	_ =	sdelay $0x1  }
0x19: {  	[bflag:$0x0] =	sbarrier.arrive $0xFFFF;
	_ =	sdelay $0x1  }
.LBB2_23:
0x1a: {  	s22 =	sadd.s32 $0x1, s22  }
0x1b: {  	p2 =	sne.s32 s22, s11  }
.Ltmp2:
0x1c: {  	_ = 	snop;
	(pc) =	sbr.rel @!p2 .LBB2_24-.Ltmp2, $1  }
0x1d: {  	_ =	sdelay $0x3  }
.LBB2_1:
.Ltmp3:
0x1e: {  	(pc) =	sbr.rel @p0 .LBB2_21-.Ltmp3, $1  }
0x1f: {  	_ =	sdelay $0x3  }
0x20: {  	[tilespmem:s13], [sflag:$0x2] =	stream.linear.gather [hbm4b:s1+s4], $0x80, $0x38;
	[tilespmem:$0x1420] =	vst v63  }
0x21: {  	_ =	swait.ge [sflag:s14], $0x80  }
0x22: {  	[sflag:s14] =	ssyncset.done $0x0  }
0x23: {  	[sflag:s14] =	ssyncadd.s32 $0xFFFFFF80  }
0x24: {  	v6 =	vld [tilespmem:$0x200];
	_ =	sdelay $0x4  }
0x25: {  	(v2sf) =	vpush v6, $0x0;
	_ =	sdelay $0xe  }
0x26: {  	s23 =	spop (v2sf)  }
0x27: {  	p2 =	sle.s32 s23, s7  }
.Ltmp4:
0x28: {  	_ = 	snop;
	(pc) =	sbr.rel @p2 .LBB2_9-.Ltmp4, $2  }
0x29: {  	_ =	sdelay $0x2  }
0x2a: {  	[tilespmem:$0x280] =	vst v1  }
0x2b: {  	[tilespmem:s4], [sflag:$0x2] =	stream.linear.gather [hbm4b:s8+s4], $0x80, $0x38;
	[tilespmem:$0x1420] =	vst v63  }
0x2c: {  	s23 =	sadd.s32 s12, s23  }
0x2d: {  	s24 =	sand.u32 $0xF, s23  }
0x2e: {  	s31 =	sshra.s32 s23, $0x1F;
	p3 =	slt.s32 s23, $0x1;
	p2 =	sne.s32 s24, $0x0  }
0x2f: {  	s24 =	sshrl.u32 s31, $0x1C;
	p2 =	por !p3, !p2  }
0x30: {  	s23 =	sadd.s32 s24, s23;
	s24 =	simm.s32 $0x1;
	p2 =	por !p2, !p2  }
0x31: {  	s23 =	sshra.s32 s23, $0x4;
	s24 =	simm.s32 @!p2 $0x0  }
0x32: {  	_ =	swait.ge [sflag:s14], $0x80;
	s23 =	ssub.s32 s23, s24  }
0x33: {  	[sflag:s14] =	ssyncset.done $0x0;
	p2 =	slt.s32 s23, $0x1  }
.Ltmp5:
0x34: {  	[sflag:s14] =	ssyncadd.s32 $0xFFFFFF80;
	(pc) =	sbr.rel @p2 .LBB2_4-.Ltmp5, $4  }
0x35: {  	[tilespmem:s16], [sflag:$0x1] =	stream.indirect.gather [hbm4b:s6+s15], $0x1, s4, s15, $0xb8;
	[tilespmem:$0x1420] =	vst v63  }
0x36: {  	_ =	swait.ge [sflag:s17], $0x80  }
0x37: {  	[sflag:s17] =	ssyncset.done $0x0  }
0x38: {  	[sflag:s17] =	ssyncadd.s32 $0xFFFFFF80  }
0x39: {  	s24 =	simm.s32 $0x100;
	s31 =	smin.u32 s23, $0x8  }
0x3a: {  	v9 =	vld [tilespmem:s24+$0x0];
	p2 =	sne.s32 s31, $0x1  }
.Ltmp6:
0x3b: {  	_ = 	snop;
	(pc) =	sbr.rel @!p2 .LBB2_7-.Ltmp6, $3  }
0x3c: {  	_ =	sdelay $0x1  }
0x3d: {  	v7 =	vbroadcast v6, $0x0;
	s23 =	simm.s32 $0x0  }
0x3e: {  	v8 =	vimm.f32 $1.000000000e+00;
	s25 =	simm.s32 $0x110;
	s24 =	sadd.s32 $0xFFFFFFFF, s31;
	v10 =	vadd.s32 s23, v0;
	v9 =	vsub.f32 $1.000000000e+00, v9  }
.LBB2_6:
0x3f: {  	v11 =	vld [tilespmem:s25+$0x0];
	p2 =	sne.s32 s24, $0x1;
	s24 =	sadd.s32 $0xFFFFFFFF, s24;
	vm0 =	vlt.s32 v10, v7  }
.Ltmp7:
0x40: {  	v9 =	vnsel vm0, $0x3F800000, v9;
	(pc) =	sbr.rel @p2 .LBB2_6-.Ltmp7, $3  }
0x41: {  	v8 =	vmul.f32 v9, v8;
	_ =	sdelay $0x1  }
0x42: {  	s23 =	sadd.s32 $0x10, s23  }
0x43: {  	s25 =	sadd.s32 $0x10, s25;
	v10 =	vadd.s32 s23, v0;
	v9 =	vsub.f32 $1.000000000e+00, v11  }
.LBB2_7:
.Ltmp8:
0x44: {  	(pc) =	sbr.rel .LBB2_8-.Ltmp8, $4  }
0x45: {  	_ = 	snop  }
0x46: {  	vm0 =	vlt.s32 v10, v7  }
0x47: {  	v7 =	vnsel vm0, $0x3F800000, v9  }
0x48: {  	v7 =	vmul.f32 v7, v8  }
.LBB2_22:
0x49: {  	[tilespmem:s20], [sflag:$0x2] =	stream.linear.gather [spmem:s3], $0x1000, $0x38;
	[tilespmem:$0x1420] =	vst v63  }
0x4a: {  	_ =	swait.ge [sflag:s14], $0x1000  }
0x4b: {  	[sflag:s14] =	ssyncset.done $0x0  }
0x4c: {  	[sflag:s14] =	ssyncadd.s32 $0xFFFFF000  }
0x4d: {  	v6 =	vld [tilespmem:$0x380]  }
0x4e: {  	v7 =	vld [tilespmem:$0x480];
	_ =	sdelay $0x1  }
0x4f: {  	v8 =	vld [tilespmem:$0x580];
	_ =	sdelay $0x1  }
0x50: {  	v9 =	vld [tilespmem:$0x680]  }
0x51: {  	v6 =	vmul.f32 v7, v6  }
0x52: {  	v7 =	vld [tilespmem:$0x780]  }
0x53: {  	v6 =	vmul.f32 v8, v6  }
0x54: {  	v35 =	vld [tilespmem:$0x880]  }
0x55: {  	v6 =	vmul.f32 v9, v6  }
0x56: {  	v36 =	vld [tilespmem:$0x980]  }
0x57: {  	v6 =	vmul.f32 v7, v6  }
0x58: {  	v7 =	vld [tilespmem:$0xA80]  }
0x59: {  	v6 =	vmul.f32 v35, v6  }
0x5a: {  	v37 =	vld [tilespmem:$0xB80]  }
0x5b: {  	v6 =	vmul.f32 v36, v6  }
0x5c: {  	v38 =	vld [tilespmem:$0xC80]  }
0x5d: {  	v6 =	vmul.f32 v7, v6  }
0x5e: {  	v7 =	vld [tilespmem:$0xD80]  }
0x5f: {  	v6 =	vmul.f32 v37, v6  }
0x60: {  	v39 =	vld [tilespmem:$0xE80]  }
0x61: {  	v6 =	vmul.f32 v38, v6  }
0x62: {  	v40 =	vld [tilespmem:$0xF80]  }
0x63: {  	v6 =	vmul.f32 v7, v6  }
0x64: {  	v7 =	vld [tilespmem:$0x1080]  }
0x65: {  	v6 =	vmul.f32 v39, v6  }
0x66: {  	v10 =	vld [tilespmem:$0x400]  }
0x67: {  	v42 =	vld [tilespmem:$0x500];
	v6 =	vmul.f32 v40, v6  }
0x68: {  	v41 =	vld [tilespmem:$0x1180]  }
0x69: {  	v6 =	vmul.f32 v7, v6;
	v7 =	vld [tilespmem:$0x600]  }
0x6a: {  	v11 =	vld [tilespmem:$0x1280]  }
0x6b: {  	v43 =	vld [tilespmem:$0x700]  }
0x6c: {  	v9 =	vmul.f32 v42, v10  }
0x6d: {  	v44 =	vld [tilespmem:$0x800];
	v6 =	vmul.f32 v41, v6  }
0x6e: {  	v7 =	vmul.f32 v7, v9  }
0x6f: {  	v45 =	vld [tilespmem:$0x900];
	v6 =	vmul.f32 v11, v6  }
0x70: {  	v7 =	vmul.f32 v43, v7  }
0x71: {  	v47 =	vld [tilespmem:$0xA00];
	[tilespmem:$0x1380] =	vst v6  }
0x72: {  	v46 =	vld.idx.msk [tilespmem:v2+s21+$0x0], $0xffff;
	v7 =	vmul.f32 v44, v7  }
0x73: {  	v48 =	vld [tilespmem:$0xB00]  }
0x74: {  	v7 =	vmul.f32 v45, v7  }
0x75: {  	v49 =	vld [tilespmem:$0xC00]  }
0x76: {  	v7 =	vmul.f32 v47, v7  }
0x77: {  	v50 =	vld [tilespmem:$0xD00];
	v6 =	vmul.f32 v46, v6  }
0x78: {  	v7 =	vmul.f32 v48, v7  }
0x79: {  	v52 =	vld [tilespmem:$0xE00];
	[tilespmem:$0x1380] =	vst v6  }
0x7a: {  	v51 =	vld.idx.msk [tilespmem:v3+s21+$0x0], $0xffff;
	v7 =	vmul.f32 v49, v7  }
0x7b: {  	v53 =	vld [tilespmem:$0xF00]  }
0x7c: {  	v7 =	vmul.f32 v50, v7  }
0x7d: {  	v54 =	vld [tilespmem:$0x1000]  }
0x7e: {  	v7 =	vmul.f32 v52, v7  }
0x7f: {  	v55 =	vld [tilespmem:$0x1100];
	v6 =	vmul.f32 v51, v6  }
0x80: {  	v7 =	vmul.f32 v53, v7  }
0x81: {  	v57 =	vld [tilespmem:$0x1200];
	[tilespmem:$0x1380] =	vst v6  }
0x82: {  	v56 =	vld.idx.msk [tilespmem:v4+s21+$0x0], $0xffff;
	v7 =	vmul.f32 v54, v7  }
0x83: {  	v58 =	vld [tilespmem:$0x1300]  }
0x84: {  	v7 =	vmul.f32 v55, v7;
	_ =	sdelay $0x1  }
0x85: {  	v7 =	vmul.f32 v57, v7  }
0x86: {  	v6 =	vmul.f32 v56, v6  }
0x87: {  	v7 =	vmul.f32 v58, v7  }
0x88: {  	[tilespmem:$0x1380] =	vst v6  }
0x89: {  	v59 =	vld.idx.msk [tilespmem:v5+s21+$0x0], $0xffff;
	[tilespmem:$0x1380] =	vst v7  }
0x8a: {  	v60 =	vld.idx.msk [tilespmem:v2+s21+$0x0], $0xffff;
	_ =	sdelay $0x4  }
0x8b: {  	v7 =	vmul.f32 v60, v7;
	_ =	sdelay $0x1  }
0x8c: {  	[tilespmem:$0x1380] =	vst v7  }
0x8d: {  	v61 =	vld.idx.msk [tilespmem:v3+s21+$0x0], $0xffff;
	_ =	sdelay $0x4  }
0x8e: {  	v7 =	vmul.f32 v61, v7;
	_ =	sdelay $0x1  }
0x8f: {  	[tilespmem:$0x1380] =	vst v7  }
0x90: {  	v62 =	vld.idx.msk [tilespmem:v4+s21+$0x0], $0xffff;
	_ =	sdelay $0x4  }
0x91: {  	v7 =	vmul.f32 v62, v7;
	_ =	sdelay $0x1  }
0x92: {  	[tilespmem:$0x1380] =	vst v7  }
0x93: {  	v63 =	vld.idx.msk [tilespmem:v5+s21+$0x0], $0xffff;
	_ =	sdelay $0x4  }
0x94: {  	v6 =	vmul.f32 v59, v6;
	v7 =	vmul.f32 v63, v7;
	_ =	sdelay $0x1  }
0x95: {  	v6 =	vsub.f32 $1.000000000e+00, v6;
	v7 =	vsub.f32 $1.000000000e+00, v7;
	_ =	sdelay $0x1  }
0x96: {  	v6 =	vadd.f32 v7, v6;
	_ =	sdelay $0x1  }
.Ltmp9:
0x97: {  	[tilespmem:$0x1380] =	vst v6;
	(pc) =	sbr.rel .LBB2_23-.Ltmp9, $4  }
0x98: {  	[hbm4b:s2+s4] =	stream.linear.scatter [tilespmem:s21], [sflag:$0x2], $0x1, $0x38;
	[tilespmem:$0x1420] =	vst v63  }
0x99: {  	_ =	swait.ge [sflag:s14], $0x1  }
0x9a: {  	[sflag:s14] =	ssyncset.done $0x0  }
0x9b: {  	[sflag:s14] =	ssyncadd.s32 $0xFFFFFFFF  }
.LBB2_4:
0x9c: {  	v7 =	vimm.f32 $1.000000000e+00  }
.LBB2_8:
0x9d: {  	_ = 	snop  }
0x9e: {  	[tilespmem:$0x280] =	vst v7  }
.LBB2_9:
0x9f: {  	(v2sf) =	vpush v6, $0x1;
	_ =	sdelay $0xe  }
0xa0: {  	s23 =	spop (v2sf)  }
0xa1: {  	p2 =	sle.s32 s23, s7  }
.Ltmp10:
0xa2: {  	_ = 	snop;
	(pc) =	sbr.rel @p2 .LBB2_20-.Ltmp10, $2  }
0xa3: {  	_ =	sdelay $0x2  }
0xa4: {  	[tilespmem:$0x300] =	vst v1  }
0xa5: {  	[tilespmem:s15], [sflag:$0x2] =	stream.linear.gather [hbm4b:s9+s4], $0x80, $0x38;
	[tilespmem:$0x1420] =	vst v63  }
0xa6: {  	_ =	swait.ge [sflag:s14], $0x80  }
0xa7: {  	[sflag:s14] =	ssyncset.done $0x0  }
0xa8: {  	[sflag:s14] =	ssyncadd.s32 $0xFFFFFF80  }
0xa9: {  	v7 =	vld [tilespmem:$0x80]  }
0xaa: {  	v8 =	vld [tilespmem:$0x90]  }
0xab: {  	v9 =	vld [tilespmem:$0xA0]  }
0xac: {  	v10 =	vld [tilespmem:$0xB0]  }
0xad: {  	v11 =	vld [tilespmem:$0xC0]  }
0xae: {  	s23 =	sadd.s32 s12, s23;
	v12 =	vld [tilespmem:$0xD0];
	v7 =	vadd.s32 $0x8000, v7  }
0xaf: {  	s24 =	sand.u32 $0xF, s23;
	[tilespmem:$0x80] =	vst v7;
	v7 =	vadd.s32 $0x8000, v8;
	v8 =	vld [tilespmem:$0xE0]  }
0xb0: {  	s31 =	sshra.s32 s23, $0x1F;
	p3 =	slt.s32 s23, $0x1;
	p2 =	sne.s32 s24, $0x0;
	v63 =	vld [tilespmem:$0xF0];
	[tilespmem:$0x90] =	vst v7;
	v7 =	vadd.s32 $0x8000, v9  }
0xb1: {  	s24 =	sshrl.u32 s31, $0x1C;
	p2 =	por !p3, !p2;
	[tilespmem:$0xA0] =	vst v7;
	v7 =	vadd.s32 $0x8000, v10  }
0xb2: {  	s23 =	sadd.s32 s24, s23;
	s24 =	simm.s32 $0x1;
	p2 =	por !p2, !p2;
	[tilespmem:$0xB0] =	vst v7;
	v7 =	vadd.s32 $0x8000, v11  }
0xb3: {  	s23 =	sshra.s32 s23, $0x4;
	s24 =	simm.s32 @!p2 $0x0;
	[tilespmem:$0xC0] =	vst v7;
	v7 =	vadd.s32 $0x8000, v12  }
0xb4: {  	s23 =	ssub.s32 s23, s24;
	[tilespmem:$0xD0] =	vst v7;
	v7 =	vadd.s32 $0x8000, v8  }
0xb5: {  	p2 =	slt.s32 s23, $0x1;
	[tilespmem:$0xE0] =	vst v7;
	v7 =	vadd.s32 $0x8000, v63  }
.Ltmp11:
0xb6: {  	[tilespmem:$0xF0] =	vst v7;
	(pc) =	sbr.rel @p2 .LBB2_11-.Ltmp11, $4  }
0xb7: {  	[tilespmem:s18], [sflag:$0x1] =	stream.indirect.gather [hbm4b:s6+s15], $0x1, s15, s15, $0xb8;
	[tilespmem:$0x1420] =	vst v63  }
0xb8: {  	_ =	swait.ge [sflag:s17], $0x80  }
0xb9: {  	[sflag:s17] =	ssyncset.done $0x0  }
0xba: {  	[sflag:s17] =	ssyncadd.s32 $0xFFFFFF80  }
0xbb: {  	s23 =	smin.u32 s23, $0x8  }
0xbc: {  	p3 =	sne.s32 s23, $0x1  }
.Ltmp12:
0xbd: {  	_ = 	snop;
	(pc) =	sbr.rel @!p3 .LBB2_13-.Ltmp12, $4  }
0xbe: {  	s24 =	simm.s32 $0x0  }
0xbf: {  	s25 =	sand.u32 $0xFFFFFF80, s24  }
0xc0: {  	p2 =	por $0x0, $0x0;
	s26 =	sadd.s32 $0x180, s25  }
0xc1: {  	v7 =	vbroadcast v6, $0x1;
	v6 =	vimm.f32 $1.000000000e+00;
	s24 =	simm.s32 $0x0;
	s25 =	sadd.s32 $0xFFFFFFFF, s23;
	s23 =	simm.s32 $0x10;
	v8 =	vld [tilespmem:s26+$0x0]  }
0xc2: {  	_ = 	snop  }
0xc3: {  	p3 =	sne.s32 s25, $0x1  }
.Ltmp13:
0xc4: {  	s26 =	simm.s32 $0x10;
	(pc) =	sbr.rel @!p3 .LBB2_15-.Ltmp13, $4  }
0xc5: {  	s26 =	sand.u32 $0xFFFFFF80, s26  }
0xc6: {  	v9 =	vadd.s32 s24, v0;
	s26 =	sadd.s32 $0x190, s26;
	v10 =	vsub.f32 $1.000000000e+00, v8  }
0xc7: {  	s24 =	sadd.s32 $0xFFFFFFFF, s25;
	vm0 =	vlt.s32 v9, v7;
	v8 =	vld [tilespmem:s26+$0x0]  }
0xc8: {  	s25 =	simm.s32 $0x190;
	p2 =	por $0x1, $0x1;
	v9 =	vimm.f32 $1.000000000e+00;
	s26 =	simm.s32 $0x20;
	v10 =	vnsel vm0, $0x3F800000, v10  }
.LBB2_16:
0xc9: {  	s28 =	sshll.u32 s26, $0x2;
	p3 =	sne.s32 s24, $0x1;
	s24 =	sadd.s32 $0xFFFFFFFF, s24;
	v9 =	vmul.f32 v10, v9  }
.Ltmp14:
0xca: {  	s28 =	sshra.s32 s28, $0x2;
	(pc) =	sbr.rel @p3 .LBB2_16-.Ltmp14, $4  }
0xcb: {  	s25 =	sadd.s32 $0x10, s25;
	s28 =	sand.u32 $0xFFFFFF80, s28  }
0xcc: {  	v10 =	vadd.s32 s23, v0;
	s23 =	smov.u32 s26;
	s28 =	sadd.s32 s28, s25;
	v11 =	vsub.f32 $1.000000000e+00, v8  }
0xcd: {  	vm0 =	vlt.s32 v10, v7;
	v8 =	vld [tilespmem:s28+$0x0]  }
0xce: {  	s26 =	sadd.s32 $0x10, s26;
	v10 =	vnsel vm0, $0x3F800000, v11  }
0xcf: {  	s24 =	smov.u32 s23  }
.LBB2_18:
0xd0: {  	_ =	sdelay $0x1  }
.Ltmp15:
0xd1: {  	v9 =	vmul.f32 @p2 v10, v9;
	v63 =	vadd.s32 s24, v0;
	v8 =	vsub.f32 $1.000000000e+00, v8;
	(pc) =	sbr.rel .LBB2_19-.Ltmp15, $3  }
0xd2: {  	vm0 =	vlt.s32 v63, v7  }
0xd3: {  	v6 =	vpsel p2, v9, v6;
	v7 =	vnsel vm0, $0x3F800000, v8  }
0xd4: {  	v6 =	vmul.f32 v7, v6;
	_ =	sdelay $0x1  }
.LBB2_13:
.Ltmp16:
0xd5: {  	(pc) =	sbr.rel .LBB2_18-.Ltmp16, $2  }
0xd6: {  	_ =	sdelay $0x2  }
0xd7: {  	v9 =	vimm.f32 $1.000000000e+00  }
.LBB2_15:
.Ltmp17:
0xd8: {  	(pc) =	sbr.rel .LBB2_18-.Ltmp17, $2  }
0xd9: {  	_ =	sdelay $0x2  }
0xda: {  	v9 =	vimm.f32 $1.000000000e+00;
	s24 =	simm.s32 $0x10  }
.LBB2_24:
0xdb: {  	_ =	sfence.sel $0x180000  }
0xdc: {  	[bflag:$0x0] =	sbarrier.arrive $0xFFFF  }
0xdd: {  	p0 =	sne.s32 s5, $0x0;
	_ =	strace $0x90000047  }
0xde: {  	s0 =	sadd.s32 @!p0 $0x100000, s0;
	[bflag:$0x2] =	sbarrier.arrive $0xFFFF  }
0xdf: {  	[sflag:s0] =	ssyncadd.tile.s32 @!p0 $0x1;
	_ =	shalt  }
.Lfunc_end2:
_tile_overlayer_lowered:
.L_overlay_start_2:
0xe0: {  	(tag) =	ssettag $0x2  }
0xe1: {  	s0 =	rddreg [dreg:$0x0];
	s2 =	stileid.u32  }
0xe2: {  	s1 =	rddreg [dreg:$0x1];
	p0 =	sne.s32 s2, $0x0  }
0xe3: {  	s3 =	rddreg [dreg:$0x2];
	[bflag:$0x3] =	sbarrier.arrive $0xFFFF;
	s2 =	simm.s32 @!p0 $0x1C02  }
0xe4: {  	[timem:s3], [sflag:s2] =	dma.local @!p0 [hbm:s0], s1  }
0xe5: {  	s0 =	simm.s32 @!p0 $0x2  }
0xe6: {  	_ =	swait.ge @!p0 [sflag:s0], s1  }
0xe7: {  	s1 =	ssub.s32 @!p0 $0x0, s1;
	[sflag:s0] =	ssyncset.done @!p0 $0x0  }
0xe8: {  	[sflag:s0] =	ssyncadd.s32 @!p0 s1  }
0xe9: {  	[bflag:$0x3] =	sbarrier.arrive $0xFFFF  }
0xea: {  	_ =	shalt  }

</sc_bundles>
